<compile_context>
chip_gen: v7x
topology: tpu7x:2x2x1
jax: 0.10.2.dev20260603
libtpu: 0.0.44.dev20260713+nightly
codegen_flags: <defaults>
</compile_context>

<pallas_src>
import functools

import jax
import jax.numpy as jnp
from jax import lax
from jax.experimental import pallas as pl
from jax.experimental.pallas import tpu as pltpu
from jax.experimental.pallas import tpu_sc as plsc

VOCAB = 50257
N_POS = 2048
N_EMBD = 768
SEQ = 2048

_NC = 2
_NS = 16
_NW = _NC * _NS
_BPW = SEQ // _NW
_LANES = 16
_CHUNKS = N_EMBD // _LANES

_NCHUNK = 8
_RPC = _BPW // _NCHUNK

_mesh = plsc.VectorSubcoreMesh(core_axis_name="c", subcore_axis_name="s")


@functools.partial(
    pl.kernel,
    out_type=jax.ShapeDtypeStruct((SEQ, N_EMBD), jnp.float32),
    mesh=_mesh,
    scratch_types=[
        pltpu.VMEM((_BPW,), jnp.int32),
        pltpu.VMEM((_BPW, N_EMBD), jnp.float32),
        pltpu.VMEM((_BPW, N_EMBD), jnp.float32),
        pltpu.SemaphoreType.DMA,
        pltpu.SemaphoreType.DMA,
        pltpu.SemaphoreType.DMA,
    ],
)
def _emb_lookup(wte_hbm, ids_hbm, wpe_hbm, out_hbm, ids_v, rows_v, wpe_v,
                gsem, wsem, osem):
    wid = lax.axis_index("s") * _NC + lax.axis_index("c")
    base = wid * _BPW

    pltpu.sync_copy(ids_hbm.at[pl.ds(base, _BPW)], ids_v)

    def issue(g, _):
        lo = g * _RPC
        pltpu.async_copy(wte_hbm.at[ids_v.at[pl.ds(lo, _RPC)]],
                         rows_v.at[pl.ds(lo, _RPC)], gsem)
        pltpu.async_copy(wpe_hbm.at[pl.ds(base + lo, _RPC)],
                         wpe_v.at[pl.ds(lo, _RPC)], wsem)
        return 0

    lax.fori_loop(0, _NCHUNK, issue, 0)

    def add_row(r, _):
        for c in range(_CHUNKS):
            sl = pl.ds(c * _LANES, _LANES)
            rows_v[r, sl] += wpe_v[r, sl]
        return 0

    def process(g, _):
        lo = g * _RPC
        pltpu.make_async_copy(wte_hbm.at[pl.ds(0, _RPC)],
                              rows_v.at[pl.ds(lo, _RPC)], gsem).wait()
        pltpu.make_async_copy(wpe_hbm.at[pl.ds(0, _RPC)],
                              wpe_v.at[pl.ds(lo, _RPC)], wsem).wait()
        lax.fori_loop(lo, lo + _RPC, add_row, 0)
        pltpu.async_copy(rows_v.at[pl.ds(lo, _RPC)],
                         out_hbm.at[pl.ds(base + lo, _RPC)], osem)
        return 0

    lax.fori_loop(0, _NCHUNK, process, 0)

    def drain(g, _):
        lo = g * _RPC
        pltpu.make_async_copy(rows_v.at[pl.ds(lo, _RPC)],
                              out_hbm.at[pl.ds(base + lo, _RPC)], osem).wait()
        return 0

    lax.fori_loop(0, _NCHUNK, drain, 0)


def kernel(input_ids, wte, wpe):
    ids = input_ids.astype(jnp.int32)
    out = _emb_lookup(wte, ids, wpe)
    return out[None, :, :]

# --- scband reference (transcript-rebuilt; emitter-appended) ---
"""Pipeline reference for scband-embedding-41343355191620 (READ-ONLY COPY).

The authoritative reference and input builder live on the scoring server;
editing this copy changes nothing except your own understanding.
"""

import jax, jax.numpy as jnp
import numpy as np

VOCAB = 50257
N_POS = 2048
N_EMBD = 768
SEQ = 2048

def setup_inputs(seed: int = 0) -> dict:
    key = jax.random.key(seed)
    k1, k2, k3 = jax.random.split(key, 3)
    input_ids = jax.random.randint(k1, (SEQ,), 0, VOCAB, dtype=jnp.int64 if jax.config.jax_enable_x64 else jnp.int32)
    wte = jax.random.normal(k2, (VOCAB, N_EMBD), dtype=jnp.float32) * 0.02
    wpe = jax.random.normal(k3, (N_POS, N_EMBD), dtype=jnp.float32) * 0.02
    return {"input_ids": input_ids, "wte": wte, "wpe": wpe}

def reference(input_ids, wte, wpe):
    seq_len = input_ids.shape[0]
    pos_ids = jnp.arange(seq_len)
    wpe_out = jnp.take(wpe, pos_ids, axis=0)
    tok_out = jnp.take(wte, input_ids, axis=0)
    x = tok_out + wpe_out
    return x[None, :, :]

if __name__ == "__main__":
    import jax
    _d = setup_inputs()
    print(jax.jit(kernel)(*tuple(_d.values())))

</pallas_src>

<mosaic_0001>
#map = affine_map<(d0, d1) -> (0, 0)>
#map1 = affine_map<(d0, d1) -> (0)>
module attributes {stable_mosaic.version = 14 : i64} {
  func.func @_emb_lookup(%arg0: i32, %arg1: i32, %arg2: memref<50257x768xf32, #tpu.memory_space<hbm>>, %arg3: memref<2048xi32, #tpu.memory_space<hbm>>, %arg4: memref<2048x768xf32, #tpu.memory_space<hbm>>, %arg5: memref<2048x768xf32, #tpu.memory_space<hbm>>, %arg6: memref<64xi32, #tpu.memory_space<vmem>>, %arg7: memref<64x768xf32, #tpu.memory_space<vmem>>, %arg8: memref<64x768xf32, #tpu.memory_space<vmem>>, %arg9: memref<!tpu.dma_semaphore, #tpu.memory_space<semaphore_mem>>, %arg10: memref<!tpu.dma_semaphore, #tpu.memory_space<semaphore_mem>>, %arg11: memref<!tpu.dma_semaphore, #tpu.memory_space<semaphore_mem>>) attributes {dimension_semantics = [#tpu.dimension_semantics<core_parallel>, #tpu.dimension_semantics<subcore_parallel>], iteration_bounds = array<i64: 2, 16>, scalar_prefetch = 0 : i64, scratch_operands = 6 : i64, tpu.core_type = #tpu.core_type<sc_vector_subcore>, window_params = [{transform_indices = #map}, {transform_indices = #map1}, {transform_indices = #map}, {transform_indices = #map}]} {
    %mul3A = arith.constant 2 : i32
    %mul3A_0 = arith.muli %arg1, %mul3A : i32
    %add3A = arith.addi %mul3A_0, %arg0 : i32
    %mul3A_1 = arith.constant 64 : i32
    %mul3A_2 = arith.muli %add3A, %mul3A_1 : i32
    "tpu.region"() ({
      %run_scoped3A = tpu.sem_alloc : memref<!tpu.dma_semaphore, #tpu.memory_space<semaphore_mem>>
      %dma_start3A = tpu.memref_slice %arg3[%mul3A_2] : memref<2048xi32, #tpu.memory_space<hbm>> -> memref<64xi32, #tpu.memory_space<hbm>>
      %dma_start3A_23 = tpu.memref_slice %arg3[%mul3A_2] : memref<2048xi32, #tpu.memory_space<hbm>> -> memref<64xi32, #tpu.memory_space<hbm>>
      tpu.enqueue_dma source(%dma_start3A_23 : memref<64xi32, #tpu.memory_space<hbm>>) target(%arg6 : memref<64xi32, #tpu.memory_space<vmem>>) target_semaphore(%run_scoped3A : memref<!tpu.dma_semaphore, #tpu.memory_space<semaphore_mem>>)
      %dma_wait3A = tpu.memref_slice %arg3[%mul3A_2] : memref<2048xi32, #tpu.memory_space<hbm>> -> memref<64xi32, #tpu.memory_space<hbm>>
      %dma_wait3A_24 = tpu.memref_slice %arg3[%mul3A_2] : memref<2048xi32, #tpu.memory_space<hbm>> -> memref<64xi32, #tpu.memory_space<hbm>>
      tpu.wait_dma2 semaphore(%run_scoped3A : memref<!tpu.dma_semaphore, #tpu.memory_space<semaphore_mem>>) src(%dma_wait3A_24 : memref<64xi32, #tpu.memory_space<hbm>>) dst(%arg6 : memref<64xi32, #tpu.memory_space<vmem>>)
      tpu.yield
    }) : () -> ()
    %scan3A = arith.constant 0 : i32
    %scan3A_3 = arith.constant 0 : i32
    %scan3A_4 = arith.constant 8 : i32
    %scan3A_5 = arith.addi %scan3A_3, %scan3A_4 : i32
    %scan3A_6 = arith.constant 1 : i32
    %scan3A_7 = scf.for %scan3A_23 = %scan3A_3 to %scan3A_5 step %scan3A_6 iter_args(%scan3A_24 = %scan3A) -> (i32)  : i32 {
      %mul3A_25 = arith.constant 8 : i32
      %mul3A_26 = arith.muli %scan3A_23, %mul3A_25 : i32
      %dma_start3A = arith.constant 0 : i32
      %dma_start3A_27 = tpu.memref_slice %arg7[%mul3A_26, %dma_start3A] : memref<64x768xf32, #tpu.memory_space<vmem>> -> memref<8x768xf32, #tpu.memory_space<vmem>>
      %dma_start3A_28 = tpu.memref_slice %arg6[%mul3A_26] : memref<64xi32, #tpu.memory_space<vmem>> -> memref<8xi32, #tpu.memory_space<vmem>>
      %dma_start3A_29 = arith.constant 0 : i32
      %dma_start3A_30 = arith.constant 0 : i32
      %dma_start3A_31 = tpu.memref_slice %arg2[%dma_start3A_29, %dma_start3A_30] : memref<50257x768xf32, #tpu.memory_space<hbm>> -> memref<50257x768xf32, #tpu.memory_space<hbm>>
      tpu.enqueue_indirect_dma source(%dma_start3A_31 : memref<50257x768xf32, #tpu.memory_space<hbm>>) target(%dma_start3A_27 : memref<8x768xf32, #tpu.memory_space<vmem>>) offsets(%dma_start3A_28 : memref<8xi32, #tpu.memory_space<vmem>>) semaphore(%arg9 : memref<!tpu.dma_semaphore, #tpu.memory_space<semaphore_mem>>)
      %add3A_32 = arith.addi %mul3A_2, %mul3A_26 : i32
      %dma_start3A_33 = arith.constant 0 : i32
      %dma_start3A_34 = tpu.memref_slice %arg8[%mul3A_26, %dma_start3A_33] : memref<64x768xf32, #tpu.memory_space<vmem>> -> memref<8x768xf32, #tpu.memory_space<vmem>>
      %dma_start3A_35 = arith.constant 0 : i32
      %dma_start3A_36 = tpu.memref_slice %arg4[%add3A_32, %dma_start3A_35] : memref<2048x768xf32, #tpu.memory_space<hbm>> -> memref<8x768xf32, #tpu.memory_space<hbm>>
      %dma_start3A_37 = arith.constant 0 : i32
      %dma_start3A_38 = tpu.memref_slice %arg8[%mul3A_26, %dma_start3A_37] : memref<64x768xf32, #tpu.memory_space<vmem>> -> memref<8x768xf32, #tpu.memory_space<vmem>>
      %dma_start3A_39 = arith.constant 0 : i32
      %dma_start3A_40 = tpu.memref_slice %arg4[%add3A_32, %dma_start3A_39] : memref<2048x768xf32, #tpu.memory_space<hbm>> -> memref<8x768xf32, #tpu.memory_space<hbm>>
      tpu.enqueue_dma source(%dma_start3A_40 : memref<8x768xf32, #tpu.memory_space<hbm>>) target(%dma_start3A_38 : memref<8x768xf32, #tpu.memory_space<vmem>>) target_semaphore(%arg10 : memref<!tpu.dma_semaphore, #tpu.memory_space<semaphore_mem>>)
      %scan3A_41 = arith.constant 0 : i32
      scf.yield %scan3A_41 : i32
    }
    %scan3A_8 = arith.constant 8 : i32
    %scan3A_9 = arith.constant 0 : i32
    %scan3A_10 = arith.constant 0 : i32
    %scan3A_11 = arith.constant 8 : i32
    %scan3A_12 = arith.addi %scan3A_10, %scan3A_11 : i32
    %scan3A_13 = arith.constant 1 : i32
    %scan3A_14 = scf.for %scan3A_23 = %scan3A_10 to %scan3A_12 step %scan3A_13 iter_args(%scan3A_24 = %scan3A_9) -> (i32)  : i32 {
      %mul3A_25 = arith.constant 8 : i32
      %mul3A_26 = arith.muli %scan3A_23, %mul3A_25 : i32
      %dma_wait3A = arith.constant 0 : i32
      %dma_wait3A_27 = tpu.memref_slice %arg7[%mul3A_26, %dma_wait3A] : memref<64x768xf32, #tpu.memory_space<vmem>> -> memref<8x768xf32, #tpu.memory_space<vmem>>
      %dma_wait3A_28 = arith.constant 0 : i32
      %dma_wait3A_29 = arith.constant 0 : i32
      %dma_wait3A_30 = tpu.memref_slice %arg2[%dma_wait3A_28, %dma_wait3A_29] : memref<50257x768xf32, #tpu.memory_space<hbm>> -> memref<8x768xf32, #tpu.memory_space<hbm>>
      %dma_wait3A_31 = arith.constant 0 : i32
      %dma_wait3A_32 = tpu.memref_slice %arg7[%mul3A_26, %dma_wait3A_31] : memref<64x768xf32, #tpu.memory_space<vmem>> -> memref<8x768xf32, #tpu.memory_space<vmem>>
      %dma_wait3A_33 = arith.constant 0 : i32
      %dma_wait3A_34 = arith.constant 0 : i32
      %dma_wait3A_35 = tpu.memref_slice %arg2[%dma_wait3A_33, %dma_wait3A_34] : memref<50257x768xf32, #tpu.memory_space<hbm>> -> memref<8x768xf32, #tpu.memory_space<hbm>>
      tpu.wait_dma2 semaphore(%arg9 : memref<!tpu.dma_semaphore, #tpu.memory_space<semaphore_mem>>) src(%dma_wait3A_35 : memref<8x768xf32, #tpu.memory_space<hbm>>) dst(%dma_wait3A_32 : memref<8x768xf32, #tpu.memory_space<vmem>>)
      %dma_wait3A_36 = arith.constant 0 : i32
      %dma_wait3A_37 = tpu.memref_slice %arg8[%mul3A_26, %dma_wait3A_36] : memref<64x768xf32, #tpu.memory_space<vmem>> -> memref<8x768xf32, #tpu.memory_space<vmem>>
      %dma_wait3A_38 = arith.constant 0 : i32
      %dma_wait3A_39 = arith.constant 0 : i32
      %dma_wait3A_40 = tpu.memref_slice %arg4[%dma_wait3A_38, %dma_wait3A_39] : memref<2048x768xf32, #tpu.memory_space<hbm>> -> memref<8x768xf32, #tpu.memory_space<hbm>>
      %dma_wait3A_41 = arith.constant 0 : i32
      %dma_wait3A_42 = tpu.memref_slice %arg8[%mul3A_26, %dma_wait3A_41] : memref<64x768xf32, #tpu.memory_space<vmem>> -> memref<8x768xf32, #tpu.memory_space<vmem>>
      %dma_wait3A_43 = arith.constant 0 : i32
      %dma_wait3A_44 = arith.constant 0 : i32
      %dma_wait3A_45 = tpu.memref_slice %arg4[%dma_wait3A_43, %dma_wait3A_44] : memref<2048x768xf32, #tpu.memory_space<hbm>> -> memref<8x768xf32, #tpu.memory_space<hbm>>
      tpu.wait_dma2 semaphore(%arg10 : memref<!tpu.dma_semaphore, #tpu.memory_space<semaphore_mem>>) src(%dma_wait3A_45 : memref<8x768xf32, #tpu.memory_space<hbm>>) dst(%dma_wait3A_42 : memref<8x768xf32, #tpu.memory_space<vmem>>)
      %add3A_46 = arith.constant 8 : i32
      %add3A_47 = arith.addi %mul3A_26, %add3A_46 : i32
      %while3A = arith.constant 0 : i32
      %while3A_48 = arith.subi %add3A_47, %mul3A_26 : i32
      %while3A_49 = arith.addi %mul3A_26, %while3A_48 : i32
      %while3A_50 = arith.constant 1 : i32
      %while3A_51 = arith.divsi %while3A_48, %while3A_50 : i32
      %while3A_52 = arith.muli %while3A_51, %while3A_50 : i32
      %while3A_53 = arith.addi %mul3A_26, %while3A_52 : i32
      %while3A_54 = arith.constant 1 : i32
      %while3A_55 = scf.for %while3A_67 = %mul3A_26 to %while3A_53 step %while3A_54 iter_args(%while3A_68 = %while3A) -> (i32)  : i32 {
        %get3A = arith.index_cast %while3A_67 : i32 to index
        %get3A_69 = arith.constant 0 : index
        %get3A_70 = tpu.vector_load %arg7[%get3A, %get3A_69] {strides = array<i32>} : memref<64x768xf32, #tpu.memory_space<vmem>>, vector<1x16xf32>,
        %get3A_71 = vector.shape_cast %get3A_70 : vector<1x16xf32> to vector<16xf32>
        %get3A_72 = arith.index_cast %while3A_67 : i32 to index
        %get3A_73 = arith.constant 0 : index
        %get3A_74 = tpu.vector_load %arg8[%get3A_72, %get3A_73] {strides = array<i32>} : memref<64x768xf32, #tpu.memory_space<vmem>>, vector<1x16xf32>,
        %get3A_75 = vector.shape_cast %get3A_74 : vector<1x16xf32> to vector<16xf32>
        %add3A_76 = arith.addf %get3A_71, %get3A_75 : vector<16xf32>
        %swap3A = arith.index_cast %while3A_67 : i32 to index
        %swap3A_77 = arith.constant 0 : index
        %swap3A_78 = tpu.vector_load %arg7[%swap3A, %swap3A_77] {strides = array<i32>} : memref<64x768xf32, #tpu.memory_space<vmem>>, vector<1x16xf32>,
        %swap3A_79 = vector.shape_cast %swap3A_78 : vector<1x16xf32> to vector<16xf32>
        %swap3A_80 = vector.shape_cast %add3A_76 : vector<16xf32> to vector<1x16xf32>
        tpu.vector_store %arg7[%swap3A, %swap3A_77], %swap3A_80 {strides = array<i32>} : memref<64x768xf32, #tpu.memory_space<vmem>>, vector<1x16xf32>,
        %get3A_81 = arith.index_cast %while3A_67 : i32 to index
        %get3A_82 = arith.constant 16 : index
        %get3A_83 = tpu.vector_load %arg7[%get3A_81, %get3A_82] {strides = array<i32>} : memref<64x768xf32, #tpu.memory_space<vmem>>, vector<1x16xf32>,
        %get3A_84 = vector.shape_cast %get3A_83 : vector<1x16xf32> to vector<16xf32>
        %get3A_85 = arith.index_cast %while3A_67 : i32 to index
        %get3A_86 = arith.constant 16 : index
        %get3A_87 = tpu.vector_load %arg8[%get3A_85, %get3A_86] {strides = array<i32>} : memref<64x768xf32, #tpu.memory_space<vmem>>, vector<1x16xf32>,
        %get3A_88 = vector.shape_cast %get3A_87 : vector<1x16xf32> to vector<16xf32>
        %add3A_89 = arith.addf %get3A_84, %get3A_88 : vector<16xf32>
        %swap3A_90 = arith.index_cast %while3A_67 : i32 to index
        %swap3A_91 = arith.constant 16 : index
        %swap3A_92 = tpu.vector_load %arg7[%swap3A_90, %swap3A_91] {strides = array<i32>} : memref<64x768xf32, #tpu.memory_space<vmem>>, vector<1x16xf32>,
        %swap3A_93 = vector.shape_cast %swap3A_92 : vector<1x16xf32> to vector<16xf32>
        %swap3A_94 = vector.shape_cast %add3A_89 : vector<16xf32> to vector<1x16xf32>
        tpu.vector_store %arg7[%swap3A_90, %swap3A_91], %swap3A_94 {strides = array<i32>} : memref<64x768xf32, #tpu.memory_space<vmem>>, vector<1x16xf32>,
        %get3A_95 = arith.index_cast %while3A_67 : i32 to index
        %get3A_96 = arith.constant 32 : index
        %get3A_97 = tpu.vector_load %arg7[%get3A_95, %get3A_96] {strides = array<i32>} : memref<64x768xf32, #tpu.memory_space<vmem>>, vector<1x16xf32>,
        %get3A_98 = vector.shape_cast %get3A_97 : vector<1x16xf32> to vector<16xf32>
        %get3A_99 = arith.index_cast %while3A_67 : i32 to index
        %get3A_100 = arith.constant 32 : index
        %get3A_101 = tpu.vector_load %arg8[%get3A_99, %get3A_100] {strides = array<i32>} : memref<64x768xf32, #tpu.memory_space<vmem>>, vector<1x16xf32>,
        %get3A_102 = vector.shape_cast %get3A_101 : vector<1x16xf32> to vector<16xf32>
        %add3A_103 = arith.addf %get3A_98, %get3A_102 : vector<16xf32>
        %swap3A_104 = arith.index_cast %while3A_67 : i32 to index
        %swap3A_105 = arith.constant 32 : index
        %swap3A_106 = tpu.vector_load %arg7[%swap3A_104, %swap3A_105] {strides = array<i32>} : memref<64x768xf32, #tpu.memory_space<vmem>>, vector<1x16xf32>,
        %swap3A_107 = vector.shape_cast %swap3A_106 : vector<1x16xf32> to vector<16xf32>
        %swap3A_108 = vector.shape_cast %add3A_103 : vector<16xf32> to vector<1x16xf32>
        tpu.vector_store %arg7[%swap3A_104, %swap3A_105], %swap3A_108 {strides = array<i32>} : memref<64x768xf32, #tpu.memory_space<vmem>>, vector<1x16xf32>,
        %get3A_109 = arith.index_cast %while3A_67 : i32 to index
        %get3A_110 = arith.constant 48 : index
        %get3A_111 = tpu.vector_load %arg7[%get3A_109, %get3A_110] {strides = array<i32>} : memref<64x768xf32, #tpu.memory_space<vmem>>, vector<1x16xf32>,
        %get3A_112 = vector.shape_cast %get3A_111 : vector<1x16xf32> to vector<16xf32>
        %get3A_113 = arith.index_cast %while3A_67 : i32 to index
        %get3A_114 = arith.constant 48 : index
        %get3A_115 = tpu.vector_load %arg8[%get3A_113, %get3A_114] {strides = array<i32>} : memref<64x768xf32, #tpu.memory_space<vmem>>, vector<1x16xf32>,
        %get3A_116 = vector.shape_cast %get3A_115 : vector<1x16xf32> to vector<16xf32>
        %add3A_117 = arith.addf %get3A_112, %get3A_116 : vector<16xf32>
        %swap3A_118 = arith.index_cast %while3A_67 : i32 to index
        %swap3A_119 = arith.constant 48 : index
        %swap3A_120 = tpu.vector_load %arg7[%swap3A_118, %swap3A_119] {strides = array<i32>} : memref<64x768xf32, #tpu.memory_space<vmem>>, vector<1x16xf32>,
        %swap3A_121 = vector.shape_cast %swap3A_120 : vector<1x16xf32> to vector<16xf32>
        %swap3A_122 = vector.shape_cast %add3A_117 : vector<16xf32> to vector<1x16xf32>
        tpu.vector_store %arg7[%swap3A_118, %swap3A_119], %swap3A_122 {strides = array<i32>} : memref<64x768xf32, #tpu.memory_space<vmem>>, vector<1x16xf32>,
        %get3A_123 = arith.index_cast %while3A_67 : i32 to index
        %get3A_124 = arith.constant 64 : index
        %get3A_125 = tpu.vector_load %arg7[%get3A_123, %get3A_124] {strides = array<i32>} : memref<64x768xf32, #tpu.memory_space<vmem>>, vector<1x16xf32>,
        %get3A_126 = vector.shape_cast %get3A_125 : vector<1x16xf32> to vector<16xf32>
        %get3A_127 = arith.index_cast %while3A_67 : i32 to index
        %get3A_128 = arith.constant 64 : index
        %get3A_129 = tpu.vector_load %arg8[%get3A_127, %get3A_128] {strides = array<i32>} : memref<64x768xf32, #tpu.memory_space<vmem>>, vector<1x16xf32>,
        %get3A_130 = vector.shape_cast %get3A_129 : vector<1x16xf32> to vector<16xf32>
        %add3A_131 = arith.addf %get3A_126, %get3A_130 : vector<16xf32>
        %swap3A_132 = arith.index_cast %while3A_67 : i32 to index
        %swap3A_133 = arith.constant 64 : index
        %swap3A_134 = tpu.vector_load %arg7[%swap3A_132, %swap3A_133] {strides = array<i32>} : memref<64x768xf32, #tpu.memory_space<vmem>>, vector<1x16xf32>,
        %swap3A_135 = vector.shape_cast %swap3A_134 : vector<1x16xf32> to vector<16xf32>
        %swap3A_136 = vector.shape_cast %add3A_131 : vector<16xf32> to vector<1x16xf32>
        tpu.vector_store %arg7[%swap3A_132, %swap3A_133], %swap3A_136 {strides = array<i32>} : memref<64x768xf32, #tpu.memory_space<vmem>>, vector<1x16xf32>,
        %get3A_137 = arith.index_cast %while3A_67 : i32 to index
        %get3A_138 = arith.constant 80 : index
        %get3A_139 = tpu.vector_load %arg7[%get3A_137, %get3A_138] {strides = array<i32>} : memref<64x768xf32, #tpu.memory_space<vmem>>, vector<1x16xf32>,
        %get3A_140 = vector.shape_cast %get3A_139 : vector<1x16xf32> to vector<16xf32>
        %get3A_141 = arith.index_cast %while3A_67 : i32 to index
        %get3A_142 = arith.constant 80 : index
        %get3A_143 = tpu.vector_load %arg8[%get3A_141, %get3A_142] {strides = array<i32>} : memref<64x768xf32, #tpu.memory_space<vmem>>, vector<1x16xf32>,
        %get3A_144 = vector.shape_cast %get3A_143 : vector<1x16xf32> to vector<16xf32>
        %add3A_145 = arith.addf %get3A_140, %get3A_144 : vector<16xf32>
        %swap3A_146 = arith.index_cast %while3A_67 : i32 to index
        %swap3A_147 = arith.constant 80 : index
        %swap3A_148 = tpu.vector_load %arg7[%swap3A_146, %swap3A_147] {strides = array<i32>} : memref<64x768xf32, #tpu.memory_space<vmem>>, vector<1x16xf32>,
        %swap3A_149 = vector.shape_cast %swap3A_148 : vector<1x16xf32> to vector<16xf32>
        %swap3A_150 = vector.shape_cast %add3A_145 : vector<16xf32> to vector<1x16xf32>
        tpu.vector_store %arg7[%swap3A_146, %swap3A_147], %swap3A_150 {strides = array<i32>} : memref<64x768xf32, #tpu.memory_space<vmem>>, vector<1x16xf32>,
        %get3A_151 = arith.index_cast %while3A_67 : i32 to index
        %get3A_152 = arith.constant 96 : index
        %get3A_153 = tpu.vector_load %arg7[%get3A_151, %get3A_152] {strides = array<i32>} : memref<64x768xf32, #tpu.memory_space<vmem>>, vector<1x16xf32>,
        %get3A_154 = vector.shape_cast %get3A_153 : vector<1x16xf32> to vector<16xf32>
        %get3A_155 = arith.index_cast %while3A_67 : i32 to index
        %get3A_156 = arith.constant 96 : index
        %get3A_157 = tpu.vector_load %arg8[%get3A_155, %get3A_156] {strides = array<i32>} : memref<64x768xf32, #tpu.memory_space<vmem>>, vector<1x16xf32>,
        %get3A_158 = vector.shape_cast %get3A_157 : vector<1x16xf32> to vector<16xf32>
        %add3A_159 = arith.addf %get3A_154, %get3A_158 : vector<16xf32>
        %swap3A_160 = arith.index_cast %while3A_67 : i32 to index
        %swap3A_161 = arith.constant 96 : index
        %swap3A_162 = tpu.vector_load %arg7[%swap3A_160, %swap3A_161] {strides = array<i32>} : memref<64x768xf32, #tpu.memory_space<vmem>>, vector<1x16xf32>,
        %swap3A_163 = vector.shape_cast %swap3A_162 : vector<1x16xf32> to vector<16xf32>
        %swap3A_164 = vector.shape_cast %add3A_159 : vector<16xf32> to vector<1x16xf32>
        tpu.vector_store %arg7[%swap3A_160, %swap3A_161], %swap3A_164 {strides = array<i32>} : memref<64x768xf32, #tpu.memory_space<vmem>>, vector<1x16xf32>,
        %get3A_165 = arith.index_cast %while3A_67 : i32 to index
        %get3A_166 = arith.constant 112 : index
        %get3A_167 = tpu.vector_load %arg7[%get3A_165, %get3A_166] {strides = array<i32>} : memref<64x768xf32, #tpu.memory_space<vmem>>, vector<1x16xf32>,
        %get3A_168 = vector.shape_cast %get3A_167 : vector<1x16xf32> to vector<16xf32>
        %get3A_169 = arith.index_cast %while3A_67 : i32 to index
        %get3A_170 = arith.constant 112 : index
        %get3A_171 = tpu.vector_load %arg8[%get3A_169, %get3A_170] {strides = array<i32>} : memref<64x768xf32, #tpu.memory_space<vmem>>, vector<1x16xf32>,
        %get3A_172 = vector.shape_cast %get3A_171 : vector<1x16xf32> to vector<16xf32>
        %add3A_173 = arith.addf %get3A_168, %get3A_172 : vector<16xf32>
        %swap3A_174 = arith.index_cast %while3A_67 : i32 to index
        %swap3A_175 = arith.constant 112 : index
        %swap3A_176 = tpu.vector_load %arg7[%swap3A_174, %swap3A_175] {strides = array<i32>} : memref<64x768xf32, #tpu.memory_space<vmem>>, vector<1x16xf32>,
        %swap3A_177 = vector.shape_cast %swap3A_176 : vector<1x16xf32> to vector<16xf32>
        %swap3A_178 = vector.shape_cast %add3A_173 : vector<16xf32> to vector<1x16xf32>
        tpu.vector_store %arg7[%swap3A_174, %swap3A_175], %swap3A_178 {strides = array<i32>} : memref<64x768xf32, #tpu.memory_space<vmem>>, vector<1x16xf32>,
        %get3A_179 = arith.index_cast %while3A_67 : i32 to index
        %get3A_180 = arith.constant 128 : index
        %get3A_181 = tpu.vector_load %arg7[%get3A_179, %get3A_180] {strides = array<i32>} : memref<64x768xf32, #tpu.memory_space<vmem>>, vector<1x16xf32>,
        %get3A_182 = vector.shape_cast %get3A_181 : vector<1x16xf32> to vector<16xf32>
        %get3A_183 = arith.index_cast %while3A_67 : i32 to index
        %get3A_184 = arith.constant 128 : index
        %get3A_185 = tpu.vector_load %arg8[%get3A_183, %get3A_184] {strides = array<i32>} : memref<64x768xf32, #tpu.memory_space<vmem>>, vector<1x16xf32>,
        %get3A_186 = vector.shape_cast %get3A_185 : vector<1x16xf32> to vector<16xf32>
        %add3A_187 = arith.addf %get3A_182, %get3A_186 : vector<16xf32>
        %swap3A_188 = arith.index_cast %while3A_67 : i32 to index
        %swap3A_189 = arith.constant 128 : index
        %swap3A_190 = tpu.vector_load %arg7[%swap3A_188, %swap3A_189] {strides = array<i32>} : memref<64x768xf32, #tpu.memory_space<vmem>>, vector<1x16xf32>,
        %swap3A_191 = vector.shape_cast %swap3A_190 : vector<1x16xf32> to vector<16xf32>
        %swap3A_192 = vector.shape_cast %add3A_187 : vector<16xf32> to vector<1x16xf32>
        tpu.vector_store %arg7[%swap3A_188, %swap3A_189], %swap3A_192 {strides = array<i32>} : memref<64x768xf32, #tpu.memory_space<vmem>>, vector<1x16xf32>,
        %get3A_193 = arith.index_cast %while3A_67 : i32 to index
        %get3A_194 = arith.constant 144 : index
        %get3A_195 = tpu.vector_load %arg7[%get3A_193, %get3A_194] {strides = array<i32>} : memref<64x768xf32, #tpu.memory_space<vmem>>, vector<1x16xf32>,
        %get3A_196 = vector.shape_cast %get3A_195 : vector<1x16xf32> to vector<16xf32>
        %get3A_197 = arith.index_cast %while3A_67 : i32 to index
        %get3A_198 = arith.constant 144 : index
        %get3A_199 = tpu.vector_load %arg8[%get3A_197, %get3A_198] {strides = array<i32>} : memref<64x768xf32, #tpu.memory_space<vmem>>, vector<1x16xf32>,
        %get3A_200 = vector.shape_cast %get3A_199 : vector<1x16xf32> to vector<16xf32>
        %add3A_201 = arith.addf %get3A_196, %get3A_200 : vector<16xf32>
        %swap3A_202 = arith.index_cast %while3A_67 : i32 to index
        %swap3A_203 = arith.constant 144 : index
        %swap3A_204 = tpu.vector_load %arg7[%swap3A_202, %swap3A_203] {strides = array<i32>} : memref<64x768xf32, #tpu.memory_space<vmem>>, vector<1x16xf32>,
        %swap3A_205 = vector.shape_cast %swap3A_204 : vector<1x16xf32> to vector<16xf32>
        %swap3A_206 = vector.shape_cast %add3A_201 : vector<16xf32> to vector<1x16xf32>
        tpu.vector_store %arg7[%swap3A_202, %swap3A_203], %swap3A_206 {strides = array<i32>} : memref<64x768xf32, #tpu.memory_space<vmem>>, vector<1x16xf32>,
        %get3A_207 = arith.index_cast %while3A_67 : i32 to index
        %get3A_208 = arith.constant 160 : index
        %get3A_209 = tpu.vector_load %arg7[%get3A_207, %get3A_208] {strides = array<i32>} : memref<64x768xf32, #tpu.memory_space<vmem>>, vector<1x16xf32>,
        %get3A_210 = vector.shape_cast %get3A_209 : vector<1x16xf32> to vector<16xf32>
        %get3A_211 = arith.index_cast %while3A_67 : i32 to index
        %get3A_212 = arith.constant 160 : index
        %get3A_213 = tpu.vector_load %arg8[%get3A_211, %get3A_212] {strides = array<i32>} : memref<64x768xf32, #tpu.memory_space<vmem>>, vector<1x16xf32>,
        %get3A_214 = vector.shape_cast %get3A_213 : vector<1x16xf32> to vector<16xf32>
        %add3A_215 = arith.addf %get3A_210, %get3A_214 : vector<16xf32>
        %swap3A_216 = arith.index_cast %while3A_67 : i32 to index
        %swap3A_217 = arith.constant 160 : index
        %swap3A_218 = tpu.vector_load %arg7[%swap3A_216, %swap3A_217] {strides = array<i32>} : memref<64x768xf32, #tpu.memory_space<vmem>>, vector<1x16xf32>,
        %swap3A_219 = vector.shape_cast %swap3A_218 : vector<1x16xf32> to vector<16xf32>
        %swap3A_220 = vector.shape_cast %add3A_215 : vector<16xf32> to vector<1x16xf32>
        tpu.vector_store %arg7[%swap3A_216, %swap3A_217], %swap3A_220 {strides = array<i32>} : memref<64x768xf32, #tpu.memory_space<vmem>>, vector<1x16xf32>,
        %get3A_221 = arith.index_cast %while3A_67 : i32 to index
        %get3A_222 = arith.constant 176 : index
        %get3A_223 = tpu.vector_load %arg7[%get3A_221, %get3A_222] {strides = array<i32>} : memref<64x768xf32, #tpu.memory_space<vmem>>, vector<1x16xf32>,
        %get3A_224 = vector.shape_cast %get3A_223 : vector<1x16xf32> to vector<16xf32>
        %get3A_225 = arith.index_cast %while3A_67 : i32 to index
        %get3A_226 = arith.constant 176 : index
        %get3A_227 = tpu.vector_load %arg8[%get3A_225, %get3A_226] {strides = array<i32>} : memref<64x768xf32, #tpu.memory_space<vmem>>, vector<1x16xf32>,
        %get3A_228 = vector.shape_cast %get3A_227 : vector<1x16xf32> to vector<16xf32>
        %add3A_229 = arith.addf %get3A_224, %get3A_228 : vector<16xf32>
        %swap3A_230 = arith.index_cast %while3A_67 : i32 to index
        %swap3A_231 = arith.constant 176 : index
        %swap3A_232 = tpu.vector_load %arg7[%swap3A_230, %swap3A_231] {strides = array<i32>} : memref<64x768xf32, #tpu.memory_space<vmem>>, vector<1x16xf32>,
        %swap3A_233 = vector.shape_cast %swap3A_232 : vector<1x16xf32> to vector<16xf32>
        %swap3A_234 = vector.shape_cast %add3A_229 : vector<16xf32> to vector<1x16xf32>
        tpu.vector_store %arg7[%swap3A_230, %swap3A_231], %swap3A_234 {strides = array<i32>} : memref<64x768xf32, #tpu.memory_space<vmem>>, vector<1x16xf32>,
        %get3A_235 = arith.index_cast %while3A_67 : i32 to index
        %get3A_236 = arith.constant 192 : index
        %get3A_237 = tpu.vector_load %arg7[%get3A_235, %get3A_236] {strides = array<i32>} : memref<64x768xf32, #tpu.memory_space<vmem>>, vector<1x16xf32>,
        %get3A_238 = vector.shape_cast %get3A_237 : vector<1x16xf32> to vector<16xf32>
        %get3A_239 = arith.index_cast %while3A_67 : i32 to index
        %get3A_240 = arith.constant 192 : index
        %get3A_241 = tpu.vector_load %arg8[%get3A_239, %get3A_240] {strides = array<i32>} : memref<64x768xf32, #tpu.memory_space<vmem>>, vector<1x16xf32>,
        %get3A_242 = vector.shape_cast %get3A_241 : vector<1x16xf32> to vector<16xf32>
        %add3A_243 = arith.addf %get3A_238, %get3A_242 : vector<16xf32>
        %swap3A_244 = arith.index_cast %while3A_67 : i32 to index
        %swap3A_245 = arith.constant 192 : index
        %swap3A_246 = tpu.vector_load %arg7[%swap3A_244, %swap3A_245] {strides = array<i32>} : memref<64x768xf32, #tpu.memory_space<vmem>>, vector<1x16xf32>,
        %swap3A_247 = vector.shape_cast %swap3A_246 : vector<1x16xf32> to vector<16xf32>
        %swap3A_248 = vector.shape_cast %add3A_243 : vector<16xf32> to vector<1x16xf32>
        tpu.vector_store %arg7[%swap3A_244, %swap3A_245], %swap3A_248 {strides = array<i32>} : memref<64x768xf32, #tpu.memory_space<vmem>>, vector<1x16xf32>,
        %get3A_249 = arith.index_cast %while3A_67 : i32 to index
        %get3A_250 = arith.constant 208 : index
        %get3A_251 = tpu.vector_load %arg7[%get3A_249, %get3A_250] {strides = array<i32>} : memref<64x768xf32, #tpu.memory_space<vmem>>, vector<1x16xf32>,
        %get3A_252 = vector.shape_cast %get3A_251 : vector<1x16xf32> to vector<16xf32>
        %get3A_253 = arith.index_cast %while3A_67 : i32 to index
        %get3A_254 = arith.constant 208 : index
        %get3A_255 = tpu.vector_load %arg8[%get3A_253, %get3A_254] {strides = array<i32>} : memref<64x768xf32, #tpu.memory_space<vmem>>, vector<1x16xf32>,
        %get3A_256 = vector.shape_cast %get3A_255 : vector<1x16xf32> to vector<16xf32>
        %add3A_257 = arith.addf %get3A_252, %get3A_256 : vector<16xf32>
        %swap3A_258 = arith.index_cast %while3A_67 : i32 to index
        %swap3A_259 = arith.constant 208 : index
        %swap3A_260 = tpu.vector_load %arg7[%swap3A_258, %swap3A_259] {strides = array<i32>} : memref<64x768xf32, #tpu.memory_space<vmem>>, vector<1x16xf32>,
        %swap3A_261 = vector.shape_cast %swap3A_260 : vector<1x16xf32> to vector<16xf32>
        %swap3A_262 = vector.shape_cast %add3A_257 : vector<16xf32> to vector<1x16xf32>
        tpu.vector_store %arg7[%swap3A_258, %swap3A_259], %swap3A_262 {strides = array<i32>} : memref<64x768xf32, #tpu.memory_space<vmem>>, vector<1x16xf32>,
        %get3A_263 = arith.index_cast %while3A_67 : i32 to index
        %get3A_264 = arith.constant 224 : index
        %get3A_265 = tpu.vector_load %arg7[%get3A_263, %get3A_264] {strides = array<i32>} : memref<64x768xf32, #tpu.memory_space<vmem>>, vector<1x16xf32>,
        %get3A_266 = vector.shape_cast %get3A_265 : vector<1x16xf32> to vector<16xf32>
        %get3A_267 = arith.index_cast %while3A_67 : i32 to index
        %get3A_268 = arith.constant 224 : index
        %get3A_269 = tpu.vector_load %arg8[%get3A_267, %get3A_268] {strides = array<i32>} : memref<64x768xf32, #tpu.memory_space<vmem>>, vector<1x16xf32>,
        %get3A_270 = vector.shape_cast %get3A_269 : vector<1x16xf32> to vector<16xf32>
        %add3A_271 = arith.addf %get3A_266, %get3A_270 : vector<16xf32>
        %swap3A_272 = arith.index_cast %while3A_67 : i32 to index
        %swap3A_273 = arith.constant 224 : index
        %swap3A_274 = tpu.vector_load %arg7[%swap3A_272, %swap3A_273] {strides = array<i32>} : memref<64x768xf32, #tpu.memory_space<vmem>>, vector<1x16xf32>,
        %swap3A_275 = vector.shape_cast %swap3A_274 : vector<1x16xf32> to vector<16xf32>
        %swap3A_276 = vector.shape_cast %add3A_271 : vector<16xf32> to vector<1x16xf32>
        tpu.vector_store %arg7[%swap3A_272, %swap3A_273], %swap3A_276 {strides = array<i32>} : memref<64x768xf32, #tpu.memory_space<vmem>>, vector<1x16xf32>,
        %get3A_277 = arith.index_cast %while3A_67 : i32 to index
        %get3A_278 = arith.constant 240 : index
        %get3A_279 = tpu.vector_load %arg7[%get3A_277, %get3A_278] {strides = array<i32>} : memref<64x768xf32, #tpu.memory_space<vmem>>, vector<1x16xf32>,
        %get3A_280 = vector.shape_cast %get3A_279 : vector<1x16xf32> to vector<16xf32>
        %get3A_281 = arith.index_cast %while3A_67 : i32 to index
        %get3A_282 = arith.constant 240 : index
        %get3A_283 = tpu.vector_load %arg8[%get3A_281, %get3A_282] {strides = array<i32>} : memref<64x768xf32, #tpu.memory_space<vmem>>, vector<1x16xf32>,
        %get3A_284 = vector.shape_cast %get3A_283 : vector<1x16xf32> to vector<16xf32>
        %add3A_285 = arith.addf %get3A_280, %get3A_284 : vector<16xf32>
        %swap3A_286 = arith.index_cast %while3A_67 : i32 to index
        %swap3A_287 = arith.constant 240 : index
        %swap3A_288 = tpu.vector_load %arg7[%swap3A_286, %swap3A_287] {strides = array<i32>} : memref<64x768xf32, #tpu.memory_space<vmem>>, vector<1x16xf32>,
        %swap3A_289 = vector.shape_cast %swap3A_288 : vector<1x16xf32> to vector<16xf32>
        %swap3A_290 = vector.shape_cast %add3A_285 : vector<16xf32> to vector<1x16xf32>
        tpu.vector_store %arg7[%swap3A_286, %swap3A_287], %swap3A_290 {strides = array<i32>} : memref<64x768xf32, #tpu.memory_space<vmem>>, vector<1x16xf32>,
        %get3A_291 = arith.index_cast %while3A_67 : i32 to index
        %get3A_292 = arith.constant 256 : index
        %get3A_293 = tpu.vector_load %arg7[%get3A_291, %get3A_292] {strides = array<i32>} : memref<64x768xf32, #tpu.memory_space<vmem>>, vector<1x16xf32>,
        %get3A_294 = vector.shape_cast %get3A_293 : vector<1x16xf32> to vector<16xf32>
        %get3A_295 = arith.index_cast %while3A_67 : i32 to index
        %get3A_296 = arith.constant 256 : index
        %get3A_297 = tpu.vector_load %arg8[%get3A_295, %get3A_296] {strides = array<i32>} : memref<64x768xf32, #tpu.memory_space<vmem>>, vector<1x16xf32>,
        %get3A_298 = vector.shape_cast %get3A_297 : vector<1x16xf32> to vector<16xf32>
        %add3A_299 = arith.addf %get3A_294, %get3A_298 : vector<16xf32>
        %swap3A_300 = arith.index_cast %while3A_67 : i32 to index
        %swap3A_301 = arith.constant 256 : index
        %swap3A_302 = tpu.vector_load %arg7[%swap3A_300, %swap3A_301] {strides = array<i32>} : memref<64x768xf32, #tpu.memory_space<vmem>>, vector<1x16xf32>,
        %swap3A_303 = vector.shape_cast %swap3A_302 : vector<1x16xf32> to vector<16xf32>
        %swap3A_304 = vector.shape_cast %add3A_299 : vector<16xf32> to vector<1x16xf32>
        tpu.vector_store %arg7[%swap3A_300, %swap3A_301], %swap3A_304 {strides = array<i32>} : memref<64x768xf32, #tpu.memory_space<vmem>>, vector<1x16xf32>,
        %get3A_305 = arith.index_cast %while3A_67 : i32 to index
        %get3A_306 = arith.constant 272 : index
        %get3A_307 = tpu.vector_load %arg7[%get3A_305, %get3A_306] {strides = array<i32>} : memref<64x768xf32, #tpu.memory_space<vmem>>, vector<1x16xf32>,
        %get3A_308 = vector.shape_cast %get3A_307 : vector<1x16xf32> to vector<16xf32>
        %get3A_309 = arith.index_cast %while3A_67 : i32 to index
        %get3A_310 = arith.constant 272 : index
        %get3A_311 = tpu.vector_load %arg8[%get3A_309, %get3A_310] {strides = array<i32>} : memref<64x768xf32, #tpu.memory_space<vmem>>, vector<1x16xf32>,
        %get3A_312 = vector.shape_cast %get3A_311 : vector<1x16xf32> to vector<16xf32>
        %add3A_313 = arith.addf %get3A_308, %get3A_312 : vector<16xf32>
        %swap3A_314 = arith.index_cast %while3A_67 : i32 to index
        %swap3A_315 = arith.constant 272 : index
        %swap3A_316 = tpu.vector_load %arg7[%swap3A_314, %swap3A_315] {strides = array<i32>} : memref<64x768xf32, #tpu.memory_space<vmem>>, vector<1x16xf32>,
        %swap3A_317 = vector.shape_cast %swap3A_316 : vector<1x16xf32> to vector<16xf32>
        %swap3A_318 = vector.shape_cast %add3A_313 : vector<16xf32> to vector<1x16xf32>
        tpu.vector_store %arg7[%swap3A_314, %swap3A_315], %swap3A_318 {strides = array<i32>} : memref<64x768xf32, #tpu.memory_space<vmem>>, vector<1x16xf32>,
        %get3A_319 = arith.index_cast %while3A_67 : i32 to index
        %get3A_320 = arith.constant 288 : index
        %get3A_321 = tpu.vector_load %arg7[%get3A_319, %get3A_320] {strides = array<i32>} : memref<64x768xf32, #tpu.memory_space<vmem>>, vector<1x16xf32>,
        %get3A_322 = vector.shape_cast %get3A_321 : vector<1x16xf32> to vector<16xf32>
        %get3A_323 = arith.index_cast %while3A_67 : i32 to index
        %get3A_324 = arith.constant 288 : index
        %get3A_325 = tpu.vector_load %arg8[%get3A_323, %get3A_324] {strides = array<i32>} : memref<64x768xf32, #tpu.memory_space<vmem>>, vector<1x16xf32>,
        %get3A_326 = vector.shape_cast %get3A_325 : vector<1x16xf32> to vector<16xf32>
        %add3A_327 = arith.addf %get3A_322, %get3A_326 : vector<16xf32>
        %swap3A_328 = arith.index_cast %while3A_67 : i32 to index
        %swap3A_329 = arith.constant 288 : index
        %swap3A_330 = tpu.vector_load %arg7[%swap3A_328, %swap3A_329] {strides = array<i32>} : memref<64x768xf32, #tpu.memory_space<vmem>>, vector<1x16xf32>,
        %swap3A_331 = vector.shape_cast %swap3A_330 : vector<1x16xf32> to vector<16xf32>
        %swap3A_332 = vector.shape_cast %add3A_327 : vector<16xf32> to vector<1x16xf32>
        tpu.vector_store %arg7[%swap3A_328, %swap3A_329], %swap3A_332 {strides = array<i32>} : memref<64x768xf32, #tpu.memory_space<vmem>>, vector<1x16xf32>,
        %get3A_333 = arith.index_cast %while3A_67 : i32 to index
        %get3A_334 = arith.constant 304 : index
        %get3A_335 = tpu.vector_load %arg7[%get3A_333, %get3A_334] {strides = array<i32>} : memref<64x768xf32, #tpu.memory_space<vmem>>, vector<1x16xf32>,
        %get3A_336 = vector.shape_cast %get3A_335 : vector<1x16xf32> to vector<16xf32>
        %get3A_337 = arith.index_cast %while3A_67 : i32 to index
        %get3A_338 = arith.constant 304 : index
        %get3A_339 = tpu.vector_load %arg8[%get3A_337, %get3A_338] {strides = array<i32>} : memref<64x768xf32, #tpu.memory_space<vmem>>, vector<1x16xf32>,
        %get3A_340 = vector.shape_cast %get3A_339 : vector<1x16xf32> to vector<16xf32>
        %add3A_341 = arith.addf %get3A_336, %get3A_340 : vector<16xf32>
        %swap3A_342 = arith.index_cast %while3A_67 : i32 to index
        %swap3A_343 = arith.constant 304 : index
        %swap3A_344 = tpu.vector_load %arg7[%swap3A_342, %swap3A_343] {strides = array<i32>} : memref<64x768xf32, #tpu.memory_space<vmem>>, vector<1x16xf32>,
        %swap3A_345 = vector.shape_cast %swap3A_344 : vector<1x16xf32> to vector<16xf32>
        %swap3A_346 = vector.shape_cast %add3A_341 : vector<16xf32> to vector<1x16xf32>
        tpu.vector_store %arg7[%swap3A_342, %swap3A_343], %swap3A_346 {strides = array<i32>} : memref<64x768xf32, #tpu.memory_space<vmem>>, vector<1x16xf32>,
        %get3A_347 = arith.index_cast %while3A_67 : i32 to index
        %get3A_348 = arith.constant 320 : index
        %get3A_349 = tpu.vector_load %arg7[%get3A_347, %get3A_348] {strides = array<i32>} : memref<64x768xf32, #tpu.memory_space<vmem>>, vector<1x16xf32>,
        %get3A_350 = vector.shape_cast %get3A_349 : vector<1x16xf32> to vector<16xf32>
        %get3A_351 = arith.index_cast %while3A_67 : i32 to index
        %get3A_352 = arith.constant 320 : index
        %get3A_353 = tpu.vector_load %arg8[%get3A_351, %get3A_352] {strides = array<i32>} : memref<64x768xf32, #tpu.memory_space<vmem>>, vector<1x16xf32>,
        %get3A_354 = vector.shape_cast %get3A_353 : vector<1x16xf32> to vector<16xf32>
        %add3A_355 = arith.addf %get3A_350, %get3A_354 : vector<16xf32>
        %swap3A_356 = arith.index_cast %while3A_67 : i32 to index
        %swap3A_357 = arith.constant 320 : index
        %swap3A_358 = tpu.vector_load %arg7[%swap3A_356, %swap3A_357] {strides = array<i32>} : memref<64x768xf32, #tpu.memory_space<vmem>>, vector<1x16xf32>,
        %swap3A_359 = vector.shape_cast %swap3A_358 : vector<1x16xf32> to vector<16xf32>
        %swap3A_360 = vector.shape_cast %add3A_355 : vector<16xf32> to vector<1x16xf32>
        tpu.vector_store %arg7[%swap3A_356, %swap3A_357], %swap3A_360 {strides = array<i32>} : memref<64x768xf32, #tpu.memory_space<vmem>>, vector<1x16xf32>,
        %get3A_361 = arith.index_cast %while3A_67 : i32 to index
        %get3A_362 = arith.constant 336 : index
        %get3A_363 = tpu.vector_load %arg7[%get3A_361, %get3A_362] {strides = array<i32>} : memref<64x768xf32, #tpu.memory_space<vmem>>, vector<1x16xf32>,
        %get3A_364 = vector.shape_cast %get3A_363 : vector<1x16xf32> to vector<16xf32>
        %get3A_365 = arith.index_cast %while3A_67 : i32 to index
        %get3A_366 = arith.constant 336 : index
        %get3A_367 = tpu.vector_load %arg8[%get3A_365, %get3A_366] {strides = array<i32>} : memref<64x768xf32, #tpu.memory_space<vmem>>, vector<1x16xf32>,
        %get3A_368 = vector.shape_cast %get3A_367 : vector<1x16xf32> to vector<16xf32>
        %add3A_369 = arith.addf %get3A_364, %get3A_368 : vector<16xf32>
        %swap3A_370 = arith.index_cast %while3A_67 : i32 to index
        %swap3A_371 = arith.constant 336 : index
        %swap3A_372 = tpu.vector_load %arg7[%swap3A_370, %swap3A_371] {strides = array<i32>} : memref<64x768xf32, #tpu.memory_space<vmem>>, vector<1x16xf32>,
        %swap3A_373 = vector.shape_cast %swap3A_372 : vector<1x16xf32> to vector<16xf32>
        %swap3A_374 = vector.shape_cast %add3A_369 : vector<16xf32> to vector<1x16xf32>
        tpu.vector_store %arg7[%swap3A_370, %swap3A_371], %swap3A_374 {strides = array<i32>} : memref<64x768xf32, #tpu.memory_space<vmem>>, vector<1x16xf32>,
        %get3A_375 = arith.index_cast %while3A_67 : i32 to index
        %get3A_376 = arith.constant 352 : index
        %get3A_377 = tpu.vector_load %arg7[%get3A_375, %get3A_376] {strides = array<i32>} : memref<64x768xf32, #tpu.memory_space<vmem>>, vector<1x16xf32>,
        %get3A_378 = vector.shape_cast %get3A_377 : vector<1x16xf32> to vector<16xf32>
        %get3A_379 = arith.index_cast %while3A_67 : i32 to index
        %get3A_380 = arith.constant 352 : index
        %get3A_381 = tpu.vector_load %arg8[%get3A_379, %get3A_380] {strides = array<i32>} : memref<64x768xf32, #tpu.memory_space<vmem>>, vector<1x16xf32>,
        %get3A_382 = vector.shape_cast %get3A_381 : vector<1x16xf32> to vector<16xf32>
        %add3A_383 = arith.addf %get3A_378, %get3A_382 : vector<16xf32>
        %swap3A_384 = arith.index_cast %while3A_67 : i32 to index
        %swap3A_385 = arith.constant 352 : index
        %swap3A_386 = tpu.vector_load %arg7[%swap3A_384, %swap3A_385] {strides = array<i32>} : memref<64x768xf32, #tpu.memory_space<vmem>>, vector<1x16xf32>,
        %swap3A_387 = vector.shape_cast %swap3A_386 : vector<1x16xf32> to vector<16xf32>
        %swap3A_388 = vector.shape_cast %add3A_383 : vector<16xf32> to vector<1x16xf32>
        tpu.vector_store %arg7[%swap3A_384, %swap3A_385], %swap3A_388 {strides = array<i32>} : memref<64x768xf32, #tpu.memory_space<vmem>>, vector<1x16xf32>,
        %get3A_389 = arith.index_cast %while3A_67 : i32 to index
        %get3A_390 = arith.constant 368 : index
        %get3A_391 = tpu.vector_load %arg7[%get3A_389, %get3A_390] {strides = array<i32>} : memref<64x768xf32, #tpu.memory_space<vmem>>, vector<1x16xf32>,
        %get3A_392 = vector.shape_cast %get3A_391 : vector<1x16xf32> to vector<16xf32>
        %get3A_393 = arith.index_cast %while3A_67 : i32 to index
        %get3A_394 = arith.constant 368 : index
        %get3A_395 = tpu.vector_load %arg8[%get3A_393, %get3A_394] {strides = array<i32>} : memref<64x768xf32, #tpu.memory_space<vmem>>, vector<1x16xf32>,
        %get3A_396 = vector.shape_cast %get3A_395 : vector<1x16xf32> to vector<16xf32>
        %add3A_397 = arith.addf %get3A_392, %get3A_396 : vector<16xf32>
        %swap3A_398 = arith.index_cast %while3A_67 : i32 to index
        %swap3A_399 = arith.constant 368 : index
        %swap3A_400 = tpu.vector_load %arg7[%swap3A_398, %swap3A_399] {strides = array<i32>} : memref<64x768xf32, #tpu.memory_space<vmem>>, vector<1x16xf32>,
        %swap3A_401 = vector.shape_cast %swap3A_400 : vector<1x16xf32> to vector<16xf32>
        %swap3A_402 = vector.shape_cast %add3A_397 : vector<16xf32> to vector<1x16xf32>
        tpu.vector_store %arg7[%swap3A_398, %swap3A_399], %swap3A_402 {strides = array<i32>} : memref<64x768xf32, #tpu.memory_space<vmem>>, vector<1x16xf32>,
        %get3A_403 = arith.index_cast %while3A_67 : i32 to index
        %get3A_404 = arith.constant 384 : index
        %get3A_405 = tpu.vector_load %arg7[%get3A_403, %get3A_404] {strides = array<i32>} : memref<64x768xf32, #tpu.memory_space<vmem>>, vector<1x16xf32>,
        %get3A_406 = vector.shape_cast %get3A_405 : vector<1x16xf32> to vector<16xf32>
        %get3A_407 = arith.index_cast %while3A_67 : i32 to index
        %get3A_408 = arith.constant 384 : index
        %get3A_409 = tpu.vector_load %arg8[%get3A_407, %get3A_408] {strides = array<i32>} : memref<64x768xf32, #tpu.memory_space<vmem>>, vector<1x16xf32>,
        %get3A_410 = vector.shape_cast %get3A_409 : vector<1x16xf32> to vector<16xf32>
        %add3A_411 = arith.addf %get3A_406, %get3A_410 : vector<16xf32>
        %swap3A_412 = arith.index_cast %while3A_67 : i32 to index
        %swap3A_413 = arith.constant 384 : index
        %swap3A_414 = tpu.vector_load %arg7[%swap3A_412, %swap3A_413] {strides = array<i32>} : memref<64x768xf32, #tpu.memory_space<vmem>>, vector<1x16xf32>,
        %swap3A_415 = vector.shape_cast %swap3A_414 : vector<1x16xf32> to vector<16xf32>
        %swap3A_416 = vector.shape_cast %add3A_411 : vector<16xf32> to vector<1x16xf32>
        tpu.vector_store %arg7[%swap3A_412, %swap3A_413], %swap3A_416 {strides = array<i32>} : memref<64x768xf32, #tpu.memory_space<vmem>>, vector<1x16xf32>,
        %get3A_417 = arith.index_cast %while3A_67 : i32 to index
        %get3A_418 = arith.constant 400 : index
        %get3A_419 = tpu.vector_load %arg7[%get3A_417, %get3A_418] {strides = array<i32>} : memref<64x768xf32, #tpu.memory_space<vmem>>, vector<1x16xf32>,
        %get3A_420 = vector.shape_cast %get3A_419 : vector<1x16xf32> to vector<16xf32>
        %get3A_421 = arith.index_cast %while3A_67 : i32 to index
        %get3A_422 = arith.constant 400 : index
        %get3A_423 = tpu.vector_load %arg8[%get3A_421, %get3A_422] {strides = array<i32>} : memref<64x768xf32, #tpu.memory_space<vmem>>, vector<1x16xf32>,
        %get3A_424 = vector.shape_cast %get3A_423 : vector<1x16xf32> to vector<16xf32>
        %add3A_425 = arith.addf %get3A_420, %get3A_424 : vector<16xf32>
        %swap3A_426 = arith.index_cast %while3A_67 : i32 to index
        %swap3A_427 = arith.constant 400 : index
        %swap3A_428 = tpu.vector_load %arg7[%swap3A_426, %swap3A_427] {strides = array<i32>} : memref<64x768xf32, #tpu.memory_space<vmem>>, vector<1x16xf32>,
        %swap3A_429 = vector.shape_cast %swap3A_428 : vector<1x16xf32> to vector<16xf32>
        %swap3A_430 = vector.shape_cast %add3A_425 : vector<16xf32> to vector<1x16xf32>
        tpu.vector_store %arg7[%swap3A_426, %swap3A_427], %swap3A_430 {strides = array<i32>} : memref<64x768xf32, #tpu.memory_space<vmem>>, vector<1x16xf32>,
        %get3A_431 = arith.index_cast %while3A_67 : i32 to index
        %get3A_432 = arith.constant 416 : index
        %get3A_433 = tpu.vector_load %arg7[%get3A_431, %get3A_432] {strides = array<i32>} : memref<64x768xf32, #tpu.memory_space<vmem>>, vector<1x16xf32>,
        %get3A_434 = vector.shape_cast %get3A_433 : vector<1x16xf32> to vector<16xf32>
        %get3A_435 = arith.index_cast %while3A_67 : i32 to index
        %get3A_436 = arith.constant 416 : index
        %get3A_437 = tpu.vector_load %arg8[%get3A_435, %get3A_436] {strides = array<i32>} : memref<64x768xf32, #tpu.memory_space<vmem>>, vector<1x16xf32>,
        %get3A_438 = vector.shape_cast %get3A_437 : vector<1x16xf32> to vector<16xf32>
        %add3A_439 = arith.addf %get3A_434, %get3A_438 : vector<16xf32>
        %swap3A_440 = arith.index_cast %while3A_67 : i32 to index
        %swap3A_441 = arith.constant 416 : index
        %swap3A_442 = tpu.vector_load %arg7[%swap3A_440, %swap3A_441] {strides = array<i32>} : memref<64x768xf32, #tpu.memory_space<vmem>>, vector<1x16xf32>,
        %swap3A_443 = vector.shape_cast %swap3A_442 : vector<1x16xf32> to vector<16xf32>
        %swap3A_444 = vector.shape_cast %add3A_439 : vector<16xf32> to vector<1x16xf32>
        tpu.vector_store %arg7[%swap3A_440, %swap3A_441], %swap3A_444 {strides = array<i32>} : memref<64x768xf32, #tpu.memory_space<vmem>>, vector<1x16xf32>,
        %get3A_445 = arith.index_cast %while3A_67 : i32 to index
        %get3A_446 = arith.constant 432 : index
        %get3A_447 = tpu.vector_load %arg7[%get3A_445, %get3A_446] {strides = array<i32>} : memref<64x768xf32, #tpu.memory_space<vmem>>, vector<1x16xf32>,
        %get3A_448 = vector.shape_cast %get3A_447 : vector<1x16xf32> to vector<16xf32>
        %get3A_449 = arith.index_cast %while3A_67 : i32 to index
        %get3A_450 = arith.constant 432 : index
        %get3A_451 = tpu.vector_load %arg8[%get3A_449, %get3A_450] {strides = array<i32>} : memref<64x768xf32, #tpu.memory_space<vmem>>, vector<1x16xf32>,
        %get3A_452 = vector.shape_cast %get3A_451 : vector<1x16xf32> to vector<16xf32>
        %add3A_453 = arith.addf %get3A_448, %get3A_452 : vector<16xf32>
        %swap3A_454 = arith.index_cast %while3A_67 : i32 to index
        %swap3A_455 = arith.constant 432 : index
        %swap3A_456 = tpu.vector_load %arg7[%swap3A_454, %swap3A_455] {strides = array<i32>} : memref<64x768xf32, #tpu.memory_space<vmem>>, vector<1x16xf32>,
        %swap3A_457 = vector.shape_cast %swap3A_456 : vector<1x16xf32> to vector<16xf32>
        %swap3A_458 = vector.shape_cast %add3A_453 : vector<16xf32> to vector<1x16xf32>
        tpu.vector_store %arg7[%swap3A_454, %swap3A_455], %swap3A_458 {strides = array<i32>} : memref<64x768xf32, #tpu.memory_space<vmem>>, vector<1x16xf32>,
        %get3A_459 = arith.index_cast %while3A_67 : i32 to index
        %get3A_460 = arith.constant 448 : index
        %get3A_461 = tpu.vector_load %arg7[%get3A_459, %get3A_460] {strides = array<i32>} : memref<64x768xf32, #tpu.memory_space<vmem>>, vector<1x16xf32>,
        %get3A_462 = vector.shape_cast %get3A_461 : vector<1x16xf32> to vector<16xf32>
        %get3A_463 = arith.index_cast %while3A_67 : i32 to index
        %get3A_464 = arith.constant 448 : index
        %get3A_465 = tpu.vector_load %arg8[%get3A_463, %get3A_464] {strides = array<i32>} : memref<64x768xf32, #tpu.memory_space<vmem>>, vector<1x16xf32>,
        %get3A_466 = vector.shape_cast %get3A_465 : vector<1x16xf32> to vector<16xf32>
        %add3A_467 = arith.addf %get3A_462, %get3A_466 : vector<16xf32>
        %swap3A_468 = arith.index_cast %while3A_67 : i32 to index
        %swap3A_469 = arith.constant 448 : index
        %swap3A_470 = tpu.vector_load %arg7[%swap3A_468, %swap3A_469] {strides = array<i32>} : memref<64x768xf32, #tpu.memory_space<vmem>>, vector<1x16xf32>,
        %swap3A_471 = vector.shape_cast %swap3A_470 : vector<1x16xf32> to vector<16xf32>
        %swap3A_472 = vector.shape_cast %add3A_467 : vector<16xf32> to vector<1x16xf32>
        tpu.vector_store %arg7[%swap3A_468, %swap3A_469], %swap3A_472 {strides = array<i32>} : memref<64x768xf32, #tpu.memory_space<vmem>>, vector<1x16xf32>,
        %get3A_473 = arith.index_cast %while3A_67 : i32 to index
        %get3A_474 = arith.constant 464 : index
        %get3A_475 = tpu.vector_load %arg7[%get3A_473, %get3A_474] {strides = array<i32>} : memref<64x768xf32, #tpu.memory_space<vmem>>, vector<1x16xf32>,
        %get3A_476 = vector.shape_cast %get3A_475 : vector<1x16xf32> to vector<16xf32>
        %get3A_477 = arith.index_cast %while3A_67 : i32 to index
        %get3A_478 = arith.constant 464 : index
        %get3A_479 = tpu.vector_load %arg8[%get3A_477, %get3A_478] {strides = array<i32>} : memref<64x768xf32, #tpu.memory_space<vmem>>, vector<1x16xf32>,
        %get3A_480 = vector.shape_cast %get3A_479 : vector<1x16xf32> to vector<16xf32>
        %add3A_481 = arith.addf %get3A_476, %get3A_480 : vector<16xf32>
        %swap3A_482 = arith.index_cast %while3A_67 : i32 to index
        %swap3A_483 = arith.constant 464 : index
        %swap3A_484 = tpu.vector_load %arg7[%swap3A_482, %swap3A_483] {strides = array<i32>} : memref<64x768xf32, #tpu.memory_space<vmem>>, vector<1x16xf32>,
        %swap3A_485 = vector.shape_cast %swap3A_484 : vector<1x16xf32> to vector<16xf32>
        %swap3A_486 = vector.shape_cast %add3A_481 : vector<16xf32> to vector<1x16xf32>
        tpu.vector_store %arg7[%swap3A_482, %swap3A_483], %swap3A_486 {strides = array<i32>} : memref<64x768xf32, #tpu.memory_space<vmem>>, vector<1x16xf32>,
        %get3A_487 = arith.index_cast %while3A_67 : i32 to index
        %get3A_488 = arith.constant 480 : index
        %get3A_489 = tpu.vector_load %arg7[%get3A_487, %get3A_488] {strides = array<i32>} : memref<64x768xf32, #tpu.memory_space<vmem>>, vector<1x16xf32>,
        %get3A_490 = vector.shape_cast %get3A_489 : vector<1x16xf32> to vector<16xf32>
        %get3A_491 = arith.index_cast %while3A_67 : i32 to index
        %get3A_492 = arith.constant 480 : index
        %get3A_493 = tpu.vector_load %arg8[%get3A_491, %get3A_492] {strides = array<i32>} : memref<64x768xf32, #tpu.memory_space<vmem>>, vector<1x16xf32>,
        %get3A_494 = vector.shape_cast %get3A_493 : vector<1x16xf32> to vector<16xf32>
        %add3A_495 = arith.addf %get3A_490, %get3A_494 : vector<16xf32>
        %swap3A_496 = arith.index_cast %while3A_67 : i32 to index
        %swap3A_497 = arith.constant 480 : index
        %swap3A_498 = tpu.vector_load %arg7[%swap3A_496, %swap3A_497] {strides = array<i32>} : memref<64x768xf32, #tpu.memory_space<vmem>>, vector<1x16xf32>,
        %swap3A_499 = vector.shape_cast %swap3A_498 : vector<1x16xf32> to vector<16xf32>
        %swap3A_500 = vector.shape_cast %add3A_495 : vector<16xf32> to vector<1x16xf32>
        tpu.vector_store %arg7[%swap3A_496, %swap3A_497], %swap3A_500 {strides = array<i32>} : memref<64x768xf32, #tpu.memory_space<vmem>>, vector<1x16xf32>,
        %get3A_501 = arith.index_cast %while3A_67 : i32 to index
        %get3A_502 = arith.constant 496 : index
        %get3A_503 = tpu.vector_load %arg7[%get3A_501, %get3A_502] {strides = array<i32>} : memref<64x768xf32, #tpu.memory_space<vmem>>, vector<1x16xf32>,
        %get3A_504 = vector.shape_cast %get3A_503 : vector<1x16xf32> to vector<16xf32>
        %get3A_505 = arith.index_cast %while3A_67 : i32 to index
        %get3A_506 = arith.constant 496 : index
        %get3A_507 = tpu.vector_load %arg8[%get3A_505, %get3A_506] {strides = array<i32>} : memref<64x768xf32, #tpu.memory_space<vmem>>, vector<1x16xf32>,
        %get3A_508 = vector.shape_cast %get3A_507 : vector<1x16xf32> to vector<16xf32>
        %add3A_509 = arith.addf %get3A_504, %get3A_508 : vector<16xf32>
        %swap3A_510 = arith.index_cast %while3A_67 : i32 to index
        %swap3A_511 = arith.constant 496 : index
        %swap3A_512 = tpu.vector_load %arg7[%swap3A_510, %swap3A_511] {strides = array<i32>} : memref<64x768xf32, #tpu.memory_space<vmem>>, vector<1x16xf32>,
        %swap3A_513 = vector.shape_cast %swap3A_512 : vector<1x16xf32> to vector<16xf32>
        %swap3A_514 = vector.shape_cast %add3A_509 : vector<16xf32> to vector<1x16xf32>
        tpu.vector_store %arg7[%swap3A_510, %swap3A_511], %swap3A_514 {strides = array<i32>} : memref<64x768xf32, #tpu.memory_space<vmem>>, vector<1x16xf32>,
        %get3A_515 = arith.index_cast %while3A_67 : i32 to index
        %get3A_516 = arith.constant 512 : index
        %get3A_517 = tpu.vector_load %arg7[%get3A_515, %get3A_516] {strides = array<i32>} : memref<64x768xf32, #tpu.memory_space<vmem>>, vector<1x16xf32>,
        %get3A_518 = vector.shape_cast %get3A_517 : vector<1x16xf32> to vector<16xf32>
        %get3A_519 = arith.index_cast %while3A_67 : i32 to index
        %get3A_520 = arith.constant 512 : index
        %get3A_521 = tpu.vector_load %arg8[%get3A_519, %get3A_520] {strides = array<i32>} : memref<64x768xf32, #tpu.memory_space<vmem>>, vector<1x16xf32>,
        %get3A_522 = vector.shape_cast %get3A_521 : vector<1x16xf32> to vector<16xf32>
        %add3A_523 = arith.addf %get3A_518, %get3A_522 : vector<16xf32>
        %swap3A_524 = arith.index_cast %while3A_67 : i32 to index
        %swap3A_525 = arith.constant 512 : index
        %swap3A_526 = tpu.vector_load %arg7[%swap3A_524, %swap3A_525] {strides = array<i32>} : memref<64x768xf32, #tpu.memory_space<vmem>>, vector<1x16xf32>,
        %swap3A_527 = vector.shape_cast %swap3A_526 : vector<1x16xf32> to vector<16xf32>
        %swap3A_528 = vector.shape_cast %add3A_523 : vector<16xf32> to vector<1x16xf32>
        tpu.vector_store %arg7[%swap3A_524, %swap3A_525], %swap3A_528 {strides = array<i32>} : memref<64x768xf32, #tpu.memory_space<vmem>>, vector<1x16xf32>,
        %get3A_529 = arith.index_cast %while3A_67 : i32 to index
        %get3A_530 = arith.constant 528 : index
        %get3A_531 = tpu.vector_load %arg7[%get3A_529, %get3A_530] {strides = array<i32>} : memref<64x768xf32, #tpu.memory_space<vmem>>, vector<1x16xf32>,
        %get3A_532 = vector.shape_cast %get3A_531 : vector<1x16xf32> to vector<16xf32>
        %get3A_533 = arith.index_cast %while3A_67 : i32 to index
        %get3A_534 = arith.constant 528 : index
        %get3A_535 = tpu.vector_load %arg8[%get3A_533, %get3A_534] {strides = array<i32>} : memref<64x768xf32, #tpu.memory_space<vmem>>, vector<1x16xf32>,
        %get3A_536 = vector.shape_cast %get3A_535 : vector<1x16xf32> to vector<16xf32>
        %add3A_537 = arith.addf %get3A_532, %get3A_536 : vector<16xf32>
        %swap3A_538 = arith.index_cast %while3A_67 : i32 to index
        %swap3A_539 = arith.constant 528 : index
        %swap3A_540 = tpu.vector_load %arg7[%swap3A_538, %swap3A_539] {strides = array<i32>} : memref<64x768xf32, #tpu.memory_space<vmem>>, vector<1x16xf32>,
        %swap3A_541 = vector.shape_cast %swap3A_540 : vector<1x16xf32> to vector<16xf32>
        %swap3A_542 = vector.shape_cast %add3A_537 : vector<16xf32> to vector<1x16xf32>
        tpu.vector_store %arg7[%swap3A_538, %swap3A_539], %swap3A_542 {strides = array<i32>} : memref<64x768xf32, #tpu.memory_space<vmem>>, vector<1x16xf32>,
        %get3A_543 = arith.index_cast %while3A_67 : i32 to index
        %get3A_544 = arith.constant 544 : index
        %get3A_545 = tpu.vector_load %arg7[%get3A_543, %get3A_544] {strides = array<i32>} : memref<64x768xf32, #tpu.memory_space<vmem>>, vector<1x16xf32>,
        %get3A_546 = vector.shape_cast %get3A_545 : vector<1x16xf32> to vector<16xf32>
        %get3A_547 = arith.index_cast %while3A_67 : i32 to index
        %get3A_548 = arith.constant 544 : index
        %get3A_549 = tpu.vector_load %arg8[%get3A_547, %get3A_548] {strides = array<i32>} : memref<64x768xf32, #tpu.memory_space<vmem>>, vector<1x16xf32>,
        %get3A_550 = vector.shape_cast %get3A_549 : vector<1x16xf32> to vector<16xf32>
        %add3A_551 = arith.addf %get3A_546, %get3A_550 : vector<16xf32>
        %swap3A_552 = arith.index_cast %while3A_67 : i32 to index
        %swap3A_553 = arith.constant 544 : index
        %swap3A_554 = tpu.vector_load %arg7[%swap3A_552, %swap3A_553] {strides = array<i32>} : memref<64x768xf32, #tpu.memory_space<vmem>>, vector<1x16xf32>,
        %swap3A_555 = vector.shape_cast %swap3A_554 : vector<1x16xf32> to vector<16xf32>
        %swap3A_556 = vector.shape_cast %add3A_551 : vector<16xf32> to vector<1x16xf32>
        tpu.vector_store %arg7[%swap3A_552, %swap3A_553], %swap3A_556 {strides = array<i32>} : memref<64x768xf32, #tpu.memory_space<vmem>>, vector<1x16xf32>,
        %get3A_557 = arith.index_cast %while3A_67 : i32 to index
        %get3A_558 = arith.constant 560 : index
        %get3A_559 = tpu.vector_load %arg7[%get3A_557, %get3A_558] {strides = array<i32>} : memref<64x768xf32, #tpu.memory_space<vmem>>, vector<1x16xf32>,
        %get3A_560 = vector.shape_cast %get3A_559 : vector<1x16xf32> to vector<16xf32>
        %get3A_561 = arith.index_cast %while3A_67 : i32 to index
        %get3A_562 = arith.constant 560 : index
        %get3A_563 = tpu.vector_load %arg8[%get3A_561, %get3A_562] {strides = array<i32>} : memref<64x768xf32, #tpu.memory_space<vmem>>, vector<1x16xf32>,
        %get3A_564 = vector.shape_cast %get3A_563 : vector<1x16xf32> to vector<16xf32>
        %add3A_565 = arith.addf %get3A_560, %get3A_564 : vector<16xf32>
        %swap3A_566 = arith.index_cast %while3A_67 : i32 to index
        %swap3A_567 = arith.constant 560 : index
        %swap3A_568 = tpu.vector_load %arg7[%swap3A_566, %swap3A_567] {strides = array<i32>} : memref<64x768xf32, #tpu.memory_space<vmem>>, vector<1x16xf32>,
        %swap3A_569 = vector.shape_cast %swap3A_568 : vector<1x16xf32> to vector<16xf32>
        %swap3A_570 = vector.shape_cast %add3A_565 : vector<16xf32> to vector<1x16xf32>
        tpu.vector_store %arg7[%swap3A_566, %swap3A_567], %swap3A_570 {strides = array<i32>} : memref<64x768xf32, #tpu.memory_space<vmem>>, vector<1x16xf32>,
        %get3A_571 = arith.index_cast %while3A_67 : i32 to index
        %get3A_572 = arith.constant 576 : index
        %get3A_573 = tpu.vector_load %arg7[%get3A_571, %get3A_572] {strides = array<i32>} : memref<64x768xf32, #tpu.memory_space<vmem>>, vector<1x16xf32>,
        %get3A_574 = vector.shape_cast %get3A_573 : vector<1x16xf32> to vector<16xf32>
        %get3A_575 = arith.index_cast %while3A_67 : i32 to index
        %get3A_576 = arith.constant 576 : index
        %get3A_577 = tpu.vector_load %arg8[%get3A_575, %get3A_576] {strides = array<i32>} : memref<64x768xf32, #tpu.memory_space<vmem>>, vector<1x16xf32>,
        %get3A_578 = vector.shape_cast %get3A_577 : vector<1x16xf32> to vector<16xf32>
        %add3A_579 = arith.addf %get3A_574, %get3A_578 : vector<16xf32>
        %swap3A_580 = arith.index_cast %while3A_67 : i32 to index
        %swap3A_581 = arith.constant 576 : index
        %swap3A_582 = tpu.vector_load %arg7[%swap3A_580, %swap3A_581] {strides = array<i32>} : memref<64x768xf32, #tpu.memory_space<vmem>>, vector<1x16xf32>,
        %swap3A_583 = vector.shape_cast %swap3A_582 : vector<1x16xf32> to vector<16xf32>
        %swap3A_584 = vector.shape_cast %add3A_579 : vector<16xf32> to vector<1x16xf32>
        tpu.vector_store %arg7[%swap3A_580, %swap3A_581], %swap3A_584 {strides = array<i32>} : memref<64x768xf32, #tpu.memory_space<vmem>>, vector<1x16xf32>,
        %get3A_585 = arith.index_cast %while3A_67 : i32 to index
        %get3A_586 = arith.constant 592 : index
        %get3A_587 = tpu.vector_load %arg7[%get3A_585, %get3A_586] {strides = array<i32>} : memref<64x768xf32, #tpu.memory_space<vmem>>, vector<1x16xf32>,
        %get3A_588 = vector.shape_cast %get3A_587 : vector<1x16xf32> to vector<16xf32>
        %get3A_589 = arith.index_cast %while3A_67 : i32 to index
        %get3A_590 = arith.constant 592 : index
        %get3A_591 = tpu.vector_load %arg8[%get3A_589, %get3A_590] {strides = array<i32>} : memref<64x768xf32, #tpu.memory_space<vmem>>, vector<1x16xf32>,
        %get3A_592 = vector.shape_cast %get3A_591 : vector<1x16xf32> to vector<16xf32>
        %add3A_593 = arith.addf %get3A_588, %get3A_592 : vector<16xf32>
        %swap3A_594 = arith.index_cast %while3A_67 : i32 to index
        %swap3A_595 = arith.constant 592 : index
        %swap3A_596 = tpu.vector_load %arg7[%swap3A_594, %swap3A_595] {strides = array<i32>} : memref<64x768xf32, #tpu.memory_space<vmem>>, vector<1x16xf32>,
        %swap3A_597 = vector.shape_cast %swap3A_596 : vector<1x16xf32> to vector<16xf32>
        %swap3A_598 = vector.shape_cast %add3A_593 : vector<16xf32> to vector<1x16xf32>
        tpu.vector_store %arg7[%swap3A_594, %swap3A_595], %swap3A_598 {strides = array<i32>} : memref<64x768xf32, #tpu.memory_space<vmem>>, vector<1x16xf32>,
        %get3A_599 = arith.index_cast %while3A_67 : i32 to index
        %get3A_600 = arith.constant 608 : index
        %get3A_601 = tpu.vector_load %arg7[%get3A_599, %get3A_600] {strides = array<i32>} : memref<64x768xf32, #tpu.memory_space<vmem>>, vector<1x16xf32>,
        %get3A_602 = vector.shape_cast %get3A_601 : vector<1x16xf32> to vector<16xf32>
        %get3A_603 = arith.index_cast %while3A_67 : i32 to index
        %get3A_604 = arith.constant 608 : index
        %get3A_605 = tpu.vector_load %arg8[%get3A_603, %get3A_604] {strides = array<i32>} : memref<64x768xf32, #tpu.memory_space<vmem>>, vector<1x16xf32>,
        %get3A_606 = vector.shape_cast %get3A_605 : vector<1x16xf32> to vector<16xf32>
        %add3A_607 = arith.addf %get3A_602, %get3A_606 : vector<16xf32>
        %swap3A_608 = arith.index_cast %while3A_67 : i32 to index
        %swap3A_609 = arith.constant 608 : index
        %swap3A_610 = tpu.vector_load %arg7[%swap3A_608, %swap3A_609] {strides = array<i32>} : memref<64x768xf32, #tpu.memory_space<vmem>>, vector<1x16xf32>,
        %swap3A_611 = vector.shape_cast %swap3A_610 : vector<1x16xf32> to vector<16xf32>
        %swap3A_612 = vector.shape_cast %add3A_607 : vector<16xf32> to vector<1x16xf32>
        tpu.vector_store %arg7[%swap3A_608, %swap3A_609], %swap3A_612 {strides = array<i32>} : memref<64x768xf32, #tpu.memory_space<vmem>>, vector<1x16xf32>,
        %get3A_613 = arith.index_cast %while3A_67 : i32 to index
        %get3A_614 = arith.constant 624 : index
        %get3A_615 = tpu.vector_load %arg7[%get3A_613, %get3A_614] {strides = array<i32>} : memref<64x768xf32, #tpu.memory_space<vmem>>, vector<1x16xf32>,
        %get3A_616 = vector.shape_cast %get3A_615 : vector<1x16xf32> to vector<16xf32>
        %get3A_617 = arith.index_cast %while3A_67 : i32 to index
        %get3A_618 = arith.constant 624 : index
        %get3A_619 = tpu.vector_load %arg8[%get3A_617, %get3A_618] {strides = array<i32>} : memref<64x768xf32, #tpu.memory_space<vmem>>, vector<1x16xf32>,
        %get3A_620 = vector.shape_cast %get3A_619 : vector<1x16xf32> to vector<16xf32>
        %add3A_621 = arith.addf %get3A_616, %get3A_620 : vector<16xf32>
        %swap3A_622 = arith.index_cast %while3A_67 : i32 to index
        %swap3A_623 = arith.constant 624 : index
        %swap3A_624 = tpu.vector_load %arg7[%swap3A_622, %swap3A_623] {strides = array<i32>} : memref<64x768xf32, #tpu.memory_space<vmem>>, vector<1x16xf32>,
        %swap3A_625 = vector.shape_cast %swap3A_624 : vector<1x16xf32> to vector<16xf32>
        %swap3A_626 = vector.shape_cast %add3A_621 : vector<16xf32> to vector<1x16xf32>
        tpu.vector_store %arg7[%swap3A_622, %swap3A_623], %swap3A_626 {strides = array<i32>} : memref<64x768xf32, #tpu.memory_space<vmem>>, vector<1x16xf32>,
        %get3A_627 = arith.index_cast %while3A_67 : i32 to index
        %get3A_628 = arith.constant 640 : index
        %get3A_629 = tpu.vector_load %arg7[%get3A_627, %get3A_628] {strides = array<i32>} : memref<64x768xf32, #tpu.memory_space<vmem>>, vector<1x16xf32>,
        %get3A_630 = vector.shape_cast %get3A_629 : vector<1x16xf32> to vector<16xf32>
        %get3A_631 = arith.index_cast %while3A_67 : i32 to index
        %get3A_632 = arith.constant 640 : index
        %get3A_633 = tpu.vector_load %arg8[%get3A_631, %get3A_632] {strides = array<i32>} : memref<64x768xf32, #tpu.memory_space<vmem>>, vector<1x16xf32>,
        %get3A_634 = vector.shape_cast %get3A_633 : vector<1x16xf32> to vector<16xf32>
        %add3A_635 = arith.addf %get3A_630, %get3A_634 : vector<16xf32>
        %swap3A_636 = arith.index_cast %while3A_67 : i32 to index
        %swap3A_637 = arith.constant 640 : index
        %swap3A_638 = tpu.vector_load %arg7[%swap3A_636, %swap3A_637] {strides = array<i32>} : memref<64x768xf32, #tpu.memory_space<vmem>>, vector<1x16xf32>,
        %swap3A_639 = vector.shape_cast %swap3A_638 : vector<1x16xf32> to vector<16xf32>
        %swap3A_640 = vector.shape_cast %add3A_635 : vector<16xf32> to vector<1x16xf32>
        tpu.vector_store %arg7[%swap3A_636, %swap3A_637], %swap3A_640 {strides = array<i32>} : memref<64x768xf32, #tpu.memory_space<vmem>>, vector<1x16xf32>,
        %get3A_641 = arith.index_cast %while3A_67 : i32 to index
        %get3A_642 = arith.constant 656 : index
        %get3A_643 = tpu.vector_load %arg7[%get3A_641, %get3A_642] {strides = array<i32>} : memref<64x768xf32, #tpu.memory_space<vmem>>, vector<1x16xf32>,
        %get3A_644 = vector.shape_cast %get3A_643 : vector<1x16xf32> to vector<16xf32>
        %get3A_645 = arith.index_cast %while3A_67 : i32 to index
        %get3A_646 = arith.constant 656 : index
        %get3A_647 = tpu.vector_load %arg8[%get3A_645, %get3A_646] {strides = array<i32>} : memref<64x768xf32, #tpu.memory_space<vmem>>, vector<1x16xf32>,
        %get3A_648 = vector.shape_cast %get3A_647 : vector<1x16xf32> to vector<16xf32>
        %add3A_649 = arith.addf %get3A_644, %get3A_648 : vector<16xf32>
        %swap3A_650 = arith.index_cast %while3A_67 : i32 to index
        %swap3A_651 = arith.constant 656 : index
        %swap3A_652 = tpu.vector_load %arg7[%swap3A_650, %swap3A_651] {strides = array<i32>} : memref<64x768xf32, #tpu.memory_space<vmem>>, vector<1x16xf32>,
        %swap3A_653 = vector.shape_cast %swap3A_652 : vector<1x16xf32> to vector<16xf32>
        %swap3A_654 = vector.shape_cast %add3A_649 : vector<16xf32> to vector<1x16xf32>
        tpu.vector_store %arg7[%swap3A_650, %swap3A_651], %swap3A_654 {strides = array<i32>} : memref<64x768xf32, #tpu.memory_space<vmem>>, vector<1x16xf32>,
        %get3A_655 = arith.index_cast %while3A_67 : i32 to index
        %get3A_656 = arith.constant 672 : index
        %get3A_657 = tpu.vector_load %arg7[%get3A_655, %get3A_656] {strides = array<i32>} : memref<64x768xf32, #tpu.memory_space<vmem>>, vector<1x16xf32>,
        %get3A_658 = vector.shape_cast %get3A_657 : vector<1x16xf32> to vector<16xf32>
        %get3A_659 = arith.index_cast %while3A_67 : i32 to index
        %get3A_660 = arith.constant 672 : index
        %get3A_661 = tpu.vector_load %arg8[%get3A_659, %get3A_660] {strides = array<i32>} : memref<64x768xf32, #tpu.memory_space<vmem>>, vector<1x16xf32>,
        %get3A_662 = vector.shape_cast %get3A_661 : vector<1x16xf32> to vector<16xf32>
        %add3A_663 = arith.addf %get3A_658, %get3A_662 : vector<16xf32>
        %swap3A_664 = arith.index_cast %while3A_67 : i32 to index
        %swap3A_665 = arith.constant 672 : index
        %swap3A_666 = tpu.vector_load %arg7[%swap3A_664, %swap3A_665] {strides = array<i32>} : memref<64x768xf32, #tpu.memory_space<vmem>>, vector<1x16xf32>,
        %swap3A_667 = vector.shape_cast %swap3A_666 : vector<1x16xf32> to vector<16xf32>
        %swap3A_668 = vector.shape_cast %add3A_663 : vector<16xf32> to vector<1x16xf32>
        tpu.vector_store %arg7[%swap3A_664, %swap3A_665], %swap3A_668 {strides = array<i32>} : memref<64x768xf32, #tpu.memory_space<vmem>>, vector<1x16xf32>,
        %get3A_669 = arith.index_cast %while3A_67 : i32 to index
        %get3A_670 = arith.constant 688 : index
        %get3A_671 = tpu.vector_load %arg7[%get3A_669, %get3A_670] {strides = array<i32>} : memref<64x768xf32, #tpu.memory_space<vmem>>, vector<1x16xf32>,
        %get3A_672 = vector.shape_cast %get3A_671 : vector<1x16xf32> to vector<16xf32>
        %get3A_673 = arith.index_cast %while3A_67 : i32 to index
        %get3A_674 = arith.constant 688 : index
        %get3A_675 = tpu.vector_load %arg8[%get3A_673, %get3A_674] {strides = array<i32>} : memref<64x768xf32, #tpu.memory_space<vmem>>, vector<1x16xf32>,
        %get3A_676 = vector.shape_cast %get3A_675 : vector<1x16xf32> to vector<16xf32>
        %add3A_677 = arith.addf %get3A_672, %get3A_676 : vector<16xf32>
        %swap3A_678 = arith.index_cast %while3A_67 : i32 to index
        %swap3A_679 = arith.constant 688 : index
        %swap3A_680 = tpu.vector_load %arg7[%swap3A_678, %swap3A_679] {strides = array<i32>} : memref<64x768xf32, #tpu.memory_space<vmem>>, vector<1x16xf32>,
        %swap3A_681 = vector.shape_cast %swap3A_680 : vector<1x16xf32> to vector<16xf32>
        %swap3A_682 = vector.shape_cast %add3A_677 : vector<16xf32> to vector<1x16xf32>
        tpu.vector_store %arg7[%swap3A_678, %swap3A_679], %swap3A_682 {strides = array<i32>} : memref<64x768xf32, #tpu.memory_space<vmem>>, vector<1x16xf32>,
        %get3A_683 = arith.index_cast %while3A_67 : i32 to index
        %get3A_684 = arith.constant 704 : index
        %get3A_685 = tpu.vector_load %arg7[%get3A_683, %get3A_684] {strides = array<i32>} : memref<64x768xf32, #tpu.memory_space<vmem>>, vector<1x16xf32>,
        %get3A_686 = vector.shape_cast %get3A_685 : vector<1x16xf32> to vector<16xf32>
        %get3A_687 = arith.index_cast %while3A_67 : i32 to index
        %get3A_688 = arith.constant 704 : index
        %get3A_689 = tpu.vector_load %arg8[%get3A_687, %get3A_688] {strides = array<i32>} : memref<64x768xf32, #tpu.memory_space<vmem>>, vector<1x16xf32>,
        %get3A_690 = vector.shape_cast %get3A_689 : vector<1x16xf32> to vector<16xf32>
        %add3A_691 = arith.addf %get3A_686, %get3A_690 : vector<16xf32>
        %swap3A_692 = arith.index_cast %while3A_67 : i32 to index
        %swap3A_693 = arith.constant 704 : index
        %swap3A_694 = tpu.vector_load %arg7[%swap3A_692, %swap3A_693] {strides = array<i32>} : memref<64x768xf32, #tpu.memory_space<vmem>>, vector<1x16xf32>,
        %swap3A_695 = vector.shape_cast %swap3A_694 : vector<1x16xf32> to vector<16xf32>
        %swap3A_696 = vector.shape_cast %add3A_691 : vector<16xf32> to vector<1x16xf32>
        tpu.vector_store %arg7[%swap3A_692, %swap3A_693], %swap3A_696 {strides = array<i32>} : memref<64x768xf32, #tpu.memory_space<vmem>>, vector<1x16xf32>,
        %get3A_697 = arith.index_cast %while3A_67 : i32 to index
        %get3A_698 = arith.constant 720 : index
        %get3A_699 = tpu.vector_load %arg7[%get3A_697, %get3A_698] {strides = array<i32>} : memref<64x768xf32, #tpu.memory_space<vmem>>, vector<1x16xf32>,
        %get3A_700 = vector.shape_cast %get3A_699 : vector<1x16xf32> to vector<16xf32>
        %get3A_701 = arith.index_cast %while3A_67 : i32 to index
        %get3A_702 = arith.constant 720 : index
        %get3A_703 = tpu.vector_load %arg8[%get3A_701, %get3A_702] {strides = array<i32>} : memref<64x768xf32, #tpu.memory_space<vmem>>, vector<1x16xf32>,
        %get3A_704 = vector.shape_cast %get3A_703 : vector<1x16xf32> to vector<16xf32>
        %add3A_705 = arith.addf %get3A_700, %get3A_704 : vector<16xf32>
        %swap3A_706 = arith.index_cast %while3A_67 : i32 to index
        %swap3A_707 = arith.constant 720 : index
        %swap3A_708 = tpu.vector_load %arg7[%swap3A_706, %swap3A_707] {strides = array<i32>} : memref<64x768xf32, #tpu.memory_space<vmem>>, vector<1x16xf32>,
        %swap3A_709 = vector.shape_cast %swap3A_708 : vector<1x16xf32> to vector<16xf32>
        %swap3A_710 = vector.shape_cast %add3A_705 : vector<16xf32> to vector<1x16xf32>
        tpu.vector_store %arg7[%swap3A_706, %swap3A_707], %swap3A_710 {strides = array<i32>} : memref<64x768xf32, #tpu.memory_space<vmem>>, vector<1x16xf32>,
        %get3A_711 = arith.index_cast %while3A_67 : i32 to index
        %get3A_712 = arith.constant 736 : index
        %get3A_713 = tpu.vector_load %arg7[%get3A_711, %get3A_712] {strides = array<i32>} : memref<64x768xf32, #tpu.memory_space<vmem>>, vector<1x16xf32>,
        %get3A_714 = vector.shape_cast %get3A_713 : vector<1x16xf32> to vector<16xf32>
        %get3A_715 = arith.index_cast %while3A_67 : i32 to index
        %get3A_716 = arith.constant 736 : index
        %get3A_717 = tpu.vector_load %arg8[%get3A_715, %get3A_716] {strides = array<i32>} : memref<64x768xf32, #tpu.memory_space<vmem>>, vector<1x16xf32>,
        %get3A_718 = vector.shape_cast %get3A_717 : vector<1x16xf32> to vector<16xf32>
        %add3A_719 = arith.addf %get3A_714, %get3A_718 : vector<16xf32>
        %swap3A_720 = arith.index_cast %while3A_67 : i32 to index
        %swap3A_721 = arith.constant 736 : index
        %swap3A_722 = tpu.vector_load %arg7[%swap3A_720, %swap3A_721] {strides = array<i32>} : memref<64x768xf32, #tpu.memory_space<vmem>>, vector<1x16xf32>,
        %swap3A_723 = vector.shape_cast %swap3A_722 : vector<1x16xf32> to vector<16xf32>
        %swap3A_724 = vector.shape_cast %add3A_719 : vector<16xf32> to vector<1x16xf32>
        tpu.vector_store %arg7[%swap3A_720, %swap3A_721], %swap3A_724 {strides = array<i32>} : memref<64x768xf32, #tpu.memory_space<vmem>>, vector<1x16xf32>,
        %get3A_725 = arith.index_cast %while3A_67 : i32 to index
        %get3A_726 = arith.constant 752 : index
        %get3A_727 = tpu.vector_load %arg7[%get3A_725, %get3A_726] {strides = array<i32>} : memref<64x768xf32, #tpu.memory_space<vmem>>, vector<1x16xf32>,
        %get3A_728 = vector.shape_cast %get3A_727 : vector<1x16xf32> to vector<16xf32>
        %get3A_729 = arith.index_cast %while3A_67 : i32 to index
        %get3A_730 = arith.constant 752 : index
        %get3A_731 = tpu.vector_load %arg8[%get3A_729, %get3A_730] {strides = array<i32>} : memref<64x768xf32, #tpu.memory_space<vmem>>, vector<1x16xf32>,
        %get3A_732 = vector.shape_cast %get3A_731 : vector<1x16xf32> to vector<16xf32>
        %add3A_733 = arith.addf %get3A_728, %get3A_732 : vector<16xf32>
        %swap3A_734 = arith.index_cast %while3A_67 : i32 to index
        %swap3A_735 = arith.constant 752 : index
        %swap3A_736 = tpu.vector_load %arg7[%swap3A_734, %swap3A_735] {strides = array<i32>} : memref<64x768xf32, #tpu.memory_space<vmem>>, vector<1x16xf32>,
        %swap3A_737 = vector.shape_cast %swap3A_736 : vector<1x16xf32> to vector<16xf32>
        %swap3A_738 = vector.shape_cast %add3A_733 : vector<16xf32> to vector<1x16xf32>
        tpu.vector_store %arg7[%swap3A_734, %swap3A_735], %swap3A_738 {strides = array<i32>} : memref<64x768xf32, #tpu.memory_space<vmem>>, vector<1x16xf32>,
        %while3A_739 = arith.constant 0 : i32
        scf.yield %while3A_739 : i32
      }
      %while3A_56 = arith.constant 1 : i32
      %while3A_57 = scf.for %while3A_67 = %while3A_53 to %while3A_49 step %while3A_56 iter_args(%while3A_68 = %while3A_55) -> (i32)  : i32 {
        %get3A = arith.index_cast %while3A_67 : i32 to index
        %get3A_69 = arith.constant 0 : index
        %get3A_70 = tpu.vector_load %arg7[%get3A, %get3A_69] {strides = array<i32>} : memref<64x768xf32, #tpu.memory_space<vmem>>, vector<1x16xf32>,
        %get3A_71 = vector.shape_cast %get3A_70 : vector<1x16xf32> to vector<16xf32>
        %get3A_72 = arith.index_cast %while3A_67 : i32 to index
        %get3A_73 = arith.constant 0 : index
        %get3A_74 = tpu.vector_load %arg8[%get3A_72, %get3A_73] {strides = array<i32>} : memref<64x768xf32, #tpu.memory_space<vmem>>, vector<1x16xf32>,
        %get3A_75 = vector.shape_cast %get3A_74 : vector<1x16xf32> to vector<16xf32>
        %add3A_76 = arith.addf %get3A_71, %get3A_75 : vector<16xf32>
        %swap3A = arith.index_cast %while3A_67 : i32 to index
        %swap3A_77 = arith.constant 0 : index
        %swap3A_78 = tpu.vector_load %arg7[%swap3A, %swap3A_77] {strides = array<i32>} : memref<64x768xf32, #tpu.memory_space<vmem>>, vector<1x16xf32>,
        %swap3A_79 = vector.shape_cast %swap3A_78 : vector<1x16xf32> to vector<16xf32>
        %swap3A_80 = vector.shape_cast %add3A_76 : vector<16xf32> to vector<1x16xf32>
        tpu.vector_store %arg7[%swap3A, %swap3A_77], %swap3A_80 {strides = array<i32>} : memref<64x768xf32, #tpu.memory_space<vmem>>, vector<1x16xf32>,
        %get3A_81 = arith.index_cast %while3A_67 : i32 to index
        %get3A_82 = arith.constant 16 : index
        %get3A_83 = tpu.vector_load %arg7[%get3A_81, %get3A_82] {strides = array<i32>} : memref<64x768xf32, #tpu.memory_space<vmem>>, vector<1x16xf32>,
        %get3A_84 = vector.shape_cast %get3A_83 : vector<1x16xf32> to vector<16xf32>
        %get3A_85 = arith.index_cast %while3A_67 : i32 to index
        %get3A_86 = arith.constant 16 : index
        %get3A_87 = tpu.vector_load %arg8[%get3A_85, %get3A_86] {strides = array<i32>} : memref<64x768xf32, #tpu.memory_space<vmem>>, vector<1x16xf32>,
        %get3A_88 = vector.shape_cast %get3A_87 : vector<1x16xf32> to vector<16xf32>
        %add3A_89 = arith.addf %get3A_84, %get3A_88 : vector<16xf32>
        %swap3A_90 = arith.index_cast %while3A_67 : i32 to index
        %swap3A_91 = arith.constant 16 : index
        %swap3A_92 = tpu.vector_load %arg7[%swap3A_90, %swap3A_91] {strides = array<i32>} : memref<64x768xf32, #tpu.memory_space<vmem>>, vector<1x16xf32>,
        %swap3A_93 = vector.shape_cast %swap3A_92 : vector<1x16xf32> to vector<16xf32>
        %swap3A_94 = vector.shape_cast %add3A_89 : vector<16xf32> to vector<1x16xf32>
        tpu.vector_store %arg7[%swap3A_90, %swap3A_91], %swap3A_94 {strides = array<i32>} : memref<64x768xf32, #tpu.memory_space<vmem>>, vector<1x16xf32>,
        %get3A_95 = arith.index_cast %while3A_67 : i32 to index
        %get3A_96 = arith.constant 32 : index
        %get3A_97 = tpu.vector_load %arg7[%get3A_95, %get3A_96] {strides = array<i32>} : memref<64x768xf32, #tpu.memory_space<vmem>>, vector<1x16xf32>,
        %get3A_98 = vector.shape_cast %get3A_97 : vector<1x16xf32> to vector<16xf32>
        %get3A_99 = arith.index_cast %while3A_67 : i32 to index
        %get3A_100 = arith.constant 32 : index
        %get3A_101 = tpu.vector_load %arg8[%get3A_99, %get3A_100] {strides = array<i32>} : memref<64x768xf32, #tpu.memory_space<vmem>>, vector<1x16xf32>,
        %get3A_102 = vector.shape_cast %get3A_101 : vector<1x16xf32> to vector<16xf32>
        %add3A_103 = arith.addf %get3A_98, %get3A_102 : vector<16xf32>
        %swap3A_104 = arith.index_cast %while3A_67 : i32 to index
        %swap3A_105 = arith.constant 32 : index
        %swap3A_106 = tpu.vector_load %arg7[%swap3A_104, %swap3A_105] {strides = array<i32>} : memref<64x768xf32, #tpu.memory_space<vmem>>, vector<1x16xf32>,
        %swap3A_107 = vector.shape_cast %swap3A_106 : vector<1x16xf32> to vector<16xf32>
        %swap3A_108 = vector.shape_cast %add3A_103 : vector<16xf32> to vector<1x16xf32>
        tpu.vector_store %arg7[%swap3A_104, %swap3A_105], %swap3A_108 {strides = array<i32>} : memref<64x768xf32, #tpu.memory_space<vmem>>, vector<1x16xf32>,
        %get3A_109 = arith.index_cast %while3A_67 : i32 to index
        %get3A_110 = arith.constant 48 : index
        %get3A_111 = tpu.vector_load %arg7[%get3A_109, %get3A_110] {strides = array<i32>} : memref<64x768xf32, #tpu.memory_space<vmem>>, vector<1x16xf32>,
        %get3A_112 = vector.shape_cast %get3A_111 : vector<1x16xf32> to vector<16xf32>
        %get3A_113 = arith.index_cast %while3A_67 : i32 to index
        %get3A_114 = arith.constant 48 : index
        %get3A_115 = tpu.vector_load %arg8[%get3A_113, %get3A_114] {strides = array<i32>} : memref<64x768xf32, #tpu.memory_space<vmem>>, vector<1x16xf32>,
        %get3A_116 = vector.shape_cast %get3A_115 : vector<1x16xf32> to vector<16xf32>
        %add3A_117 = arith.addf %get3A_112, %get3A_116 : vector<16xf32>
        %swap3A_118 = arith.index_cast %while3A_67 : i32 to index
        %swap3A_119 = arith.constant 48 : index
        %swap3A_120 = tpu.vector_load %arg7[%swap3A_118, %swap3A_119] {strides = array<i32>} : memref<64x768xf32, #tpu.memory_space<vmem>>, vector<1x16xf32>,
        %swap3A_121 = vector.shape_cast %swap3A_120 : vector<1x16xf32> to vector<16xf32>
        %swap3A_122 = vector.shape_cast %add3A_117 : vector<16xf32> to vector<1x16xf32>
        tpu.vector_store %arg7[%swap3A_118, %swap3A_119], %swap3A_122 {strides = array<i32>} : memref<64x768xf32, #tpu.memory_space<vmem>>, vector<1x16xf32>,
        %get3A_123 = arith.index_cast %while3A_67 : i32 to index
        %get3A_124 = arith.constant 64 : index
        %get3A_125 = tpu.vector_load %arg7[%get3A_123, %get3A_124] {strides = array<i32>} : memref<64x768xf32, #tpu.memory_space<vmem>>, vector<1x16xf32>,
        %get3A_126 = vector.shape_cast %get3A_125 : vector<1x16xf32> to vector<16xf32>
        %get3A_127 = arith.index_cast %while3A_67 : i32 to index
        %get3A_128 = arith.constant 64 : index
        %get3A_129 = tpu.vector_load %arg8[%get3A_127, %get3A_128] {strides = array<i32>} : memref<64x768xf32, #tpu.memory_space<vmem>>, vector<1x16xf32>,
        %get3A_130 = vector.shape_cast %get3A_129 : vector<1x16xf32> to vector<16xf32>
        %add3A_131 = arith.addf %get3A_126, %get3A_130 : vector<16xf32>
        %swap3A_132 = arith.index_cast %while3A_67 : i32 to index
        %swap3A_133 = arith.constant 64 : index
        %swap3A_134 = tpu.vector_load %arg7[%swap3A_132, %swap3A_133] {strides = array<i32>} : memref<64x768xf32, #tpu.memory_space<vmem>>, vector<1x16xf32>,
        %swap3A_135 = vector.shape_cast %swap3A_134 : vector<1x16xf32> to vector<16xf32>
        %swap3A_136 = vector.shape_cast %add3A_131 : vector<16xf32> to vector<1x16xf32>
        tpu.vector_store %arg7[%swap3A_132, %swap3A_133], %swap3A_136 {strides = array<i32>} : memref<64x768xf32, #tpu.memory_space<vmem>>, vector<1x16xf32>,
        %get3A_137 = arith.index_cast %while3A_67 : i32 to index
        %get3A_138 = arith.constant 80 : index
        %get3A_139 = tpu.vector_load %arg7[%get3A_137, %get3A_138] {strides = array<i32>} : memref<64x768xf32, #tpu.memory_space<vmem>>, vector<1x16xf32>,
        %get3A_140 = vector.shape_cast %get3A_139 : vector<1x16xf32> to vector<16xf32>
        %get3A_141 = arith.index_cast %while3A_67 : i32 to index
        %get3A_142 = arith.constant 80 : index
        %get3A_143 = tpu.vector_load %arg8[%get3A_141, %get3A_142] {strides = array<i32>} : memref<64x768xf32, #tpu.memory_space<vmem>>, vector<1x16xf32>,
        %get3A_144 = vector.shape_cast %get3A_143 : vector<1x16xf32> to vector<16xf32>
        %add3A_145 = arith.addf %get3A_140, %get3A_144 : vector<16xf32>
        %swap3A_146 = arith.index_cast %while3A_67 : i32 to index
        %swap3A_147 = arith.constant 80 : index
        %swap3A_148 = tpu.vector_load %arg7[%swap3A_146, %swap3A_147] {strides = array<i32>} : memref<64x768xf32, #tpu.memory_space<vmem>>, vector<1x16xf32>,
        %swap3A_149 = vector.shape_cast %swap3A_148 : vector<1x16xf32> to vector<16xf32>
        %swap3A_150 = vector.shape_cast %add3A_145 : vector<16xf32> to vector<1x16xf32>
        tpu.vector_store %arg7[%swap3A_146, %swap3A_147], %swap3A_150 {strides = array<i32>} : memref<64x768xf32, #tpu.memory_space<vmem>>, vector<1x16xf32>,
        %get3A_151 = arith.index_cast %while3A_67 : i32 to index
        %get3A_152 = arith.constant 96 : index
        %get3A_153 = tpu.vector_load %arg7[%get3A_151, %get3A_152] {strides = array<i32>} : memref<64x768xf32, #tpu.memory_space<vmem>>, vector<1x16xf32>,
        %get3A_154 = vector.shape_cast %get3A_153 : vector<1x16xf32> to vector<16xf32>
        %get3A_155 = arith.index_cast %while3A_67 : i32 to index
        %get3A_156 = arith.constant 96 : index
        %get3A_157 = tpu.vector_load %arg8[%get3A_155, %get3A_156] {strides = array<i32>} : memref<64x768xf32, #tpu.memory_space<vmem>>, vector<1x16xf32>,
        %get3A_158 = vector.shape_cast %get3A_157 : vector<1x16xf32> to vector<16xf32>
        %add3A_159 = arith.addf %get3A_154, %get3A_158 : vector<16xf32>
        %swap3A_160 = arith.index_cast %while3A_67 : i32 to index
        %swap3A_161 = arith.constant 96 : index
        %swap3A_162 = tpu.vector_load %arg7[%swap3A_160, %swap3A_161] {strides = array<i32>} : memref<64x768xf32, #tpu.memory_space<vmem>>, vector<1x16xf32>,
        %swap3A_163 = vector.shape_cast %swap3A_162 : vector<1x16xf32> to vector<16xf32>
        %swap3A_164 = vector.shape_cast %add3A_159 : vector<16xf32> to vector<1x16xf32>
        tpu.vector_store %arg7[%swap3A_160, %swap3A_161], %swap3A_164 {strides = array<i32>} : memref<64x768xf32, #tpu.memory_space<vmem>>, vector<1x16xf32>,
        %get3A_165 = arith.index_cast %while3A_67 : i32 to index
        %get3A_166 = arith.constant 112 : index
        %get3A_167 = tpu.vector_load %arg7[%get3A_165, %get3A_166] {strides = array<i32>} : memref<64x768xf32, #tpu.memory_space<vmem>>, vector<1x16xf32>,
        %get3A_168 = vector.shape_cast %get3A_167 : vector<1x16xf32> to vector<16xf32>
        %get3A_169 = arith.index_cast %while3A_67 : i32 to index
        %get3A_170 = arith.constant 112 : index
        %get3A_171 = tpu.vector_load %arg8[%get3A_169, %get3A_170] {strides = array<i32>} : memref<64x768xf32, #tpu.memory_space<vmem>>, vector<1x16xf32>,
        %get3A_172 = vector.shape_cast %get3A_171 : vector<1x16xf32> to vector<16xf32>
        %add3A_173 = arith.addf %get3A_168, %get3A_172 : vector<16xf32>
        %swap3A_174 = arith.index_cast %while3A_67 : i32 to index
        %swap3A_175 = arith.constant 112 : index
        %swap3A_176 = tpu.vector_load %arg7[%swap3A_174, %swap3A_175] {strides = array<i32>} : memref<64x768xf32, #tpu.memory_space<vmem>>, vector<1x16xf32>,
        %swap3A_177 = vector.shape_cast %swap3A_176 : vector<1x16xf32> to vector<16xf32>
        %swap3A_178 = vector.shape_cast %add3A_173 : vector<16xf32> to vector<1x16xf32>
        tpu.vector_store %arg7[%swap3A_174, %swap3A_175], %swap3A_178 {strides = array<i32>} : memref<64x768xf32, #tpu.memory_space<vmem>>, vector<1x16xf32>,
        %get3A_179 = arith.index_cast %while3A_67 : i32 to index
        %get3A_180 = arith.constant 128 : index
        %get3A_181 = tpu.vector_load %arg7[%get3A_179, %get3A_180] {strides = array<i32>} : memref<64x768xf32, #tpu.memory_space<vmem>>, vector<1x16xf32>,
        %get3A_182 = vector.shape_cast %get3A_181 : vector<1x16xf32> to vector<16xf32>
        %get3A_183 = arith.index_cast %while3A_67 : i32 to index
        %get3A_184 = arith.constant 128 : index
        %get3A_185 = tpu.vector_load %arg8[%get3A_183, %get3A_184] {strides = array<i32>} : memref<64x768xf32, #tpu.memory_space<vmem>>, vector<1x16xf32>,
        %get3A_186 = vector.shape_cast %get3A_185 : vector<1x16xf32> to vector<16xf32>
        %add3A_187 = arith.addf %get3A_182, %get3A_186 : vector<16xf32>
        %swap3A_188 = arith.index_cast %while3A_67 : i32 to index
        %swap3A_189 = arith.constant 128 : index
        %swap3A_190 = tpu.vector_load %arg7[%swap3A_188, %swap3A_189] {strides = array<i32>} : memref<64x768xf32, #tpu.memory_space<vmem>>, vector<1x16xf32>,
        %swap3A_191 = vector.shape_cast %swap3A_190 : vector<1x16xf32> to vector<16xf32>
        %swap3A_192 = vector.shape_cast %add3A_187 : vector<16xf32> to vector<1x16xf32>
        tpu.vector_store %arg7[%swap3A_188, %swap3A_189], %swap3A_192 {strides = array<i32>} : memref<64x768xf32, #tpu.memory_space<vmem>>, vector<1x16xf32>,
        %get3A_193 = arith.index_cast %while3A_67 : i32 to index
        %get3A_194 = arith.constant 144 : index
        %get3A_195 = tpu.vector_load %arg7[%get3A_193, %get3A_194] {strides = array<i32>} : memref<64x768xf32, #tpu.memory_space<vmem>>, vector<1x16xf32>,
        %get3A_196 = vector.shape_cast %get3A_195 : vector<1x16xf32> to vector<16xf32>
        %get3A_197 = arith.index_cast %while3A_67 : i32 to index
        %get3A_198 = arith.constant 144 : index
        %get3A_199 = tpu.vector_load %arg8[%get3A_197, %get3A_198] {strides = array<i32>} : memref<64x768xf32, #tpu.memory_space<vmem>>, vector<1x16xf32>,
        %get3A_200 = vector.shape_cast %get3A_199 : vector<1x16xf32> to vector<16xf32>
        %add3A_201 = arith.addf %get3A_196, %get3A_200 : vector<16xf32>
        %swap3A_202 = arith.index_cast %while3A_67 : i32 to index
        %swap3A_203 = arith.constant 144 : index
        %swap3A_204 = tpu.vector_load %arg7[%swap3A_202, %swap3A_203] {strides = array<i32>} : memref<64x768xf32, #tpu.memory_space<vmem>>, vector<1x16xf32>,
        %swap3A_205 = vector.shape_cast %swap3A_204 : vector<1x16xf32> to vector<16xf32>
        %swap3A_206 = vector.shape_cast %add3A_201 : vector<16xf32> to vector<1x16xf32>
        tpu.vector_store %arg7[%swap3A_202, %swap3A_203], %swap3A_206 {strides = array<i32>} : memref<64x768xf32, #tpu.memory_space<vmem>>, vector<1x16xf32>,
        %get3A_207 = arith.index_cast %while3A_67 : i32 to index
        %get3A_208 = arith.constant 160 : index
        %get3A_209 = tpu.vector_load %arg7[%get3A_207, %get3A_208] {strides = array<i32>} : memref<64x768xf32, #tpu.memory_space<vmem>>, vector<1x16xf32>,
        %get3A_210 = vector.shape_cast %get3A_209 : vector<1x16xf32> to vector<16xf32>
        %get3A_211 = arith.index_cast %while3A_67 : i32 to index
        %get3A_212 = arith.constant 160 : index
        %get3A_213 = tpu.vector_load %arg8[%get3A_211, %get3A_212] {strides = array<i32>} : memref<64x768xf32, #tpu.memory_space<vmem>>, vector<1x16xf32>,
        %get3A_214 = vector.shape_cast %get3A_213 : vector<1x16xf32> to vector<16xf32>
        %add3A_215 = arith.addf %get3A_210, %get3A_214 : vector<16xf32>
        %swap3A_216 = arith.index_cast %while3A_67 : i32 to index
        %swap3A_217 = arith.constant 160 : index
        %swap3A_218 = tpu.vector_load %arg7[%swap3A_216, %swap3A_217] {strides = array<i32>} : memref<64x768xf32, #tpu.memory_space<vmem>>, vector<1x16xf32>,
        %swap3A_219 = vector.shape_cast %swap3A_218 : vector<1x16xf32> to vector<16xf32>
        %swap3A_220 = vector.shape_cast %add3A_215 : vector<16xf32> to vector<1x16xf32>
        tpu.vector_store %arg7[%swap3A_216, %swap3A_217], %swap3A_220 {strides = array<i32>} : memref<64x768xf32, #tpu.memory_space<vmem>>, vector<1x16xf32>,
        %get3A_221 = arith.index_cast %while3A_67 : i32 to index
        %get3A_222 = arith.constant 176 : index
        %get3A_223 = tpu.vector_load %arg7[%get3A_221, %get3A_222] {strides = array<i32>} : memref<64x768xf32, #tpu.memory_space<vmem>>, vector<1x16xf32>,
        %get3A_224 = vector.shape_cast %get3A_223 : vector<1x16xf32> to vector<16xf32>
        %get3A_225 = arith.index_cast %while3A_67 : i32 to index
        %get3A_226 = arith.constant 176 : index
        %get3A_227 = tpu.vector_load %arg8[%get3A_225, %get3A_226] {strides = array<i32>} : memref<64x768xf32, #tpu.memory_space<vmem>>, vector<1x16xf32>,
        %get3A_228 = vector.shape_cast %get3A_227 : vector<1x16xf32> to vector<16xf32>
        %add3A_229 = arith.addf %get3A_224, %get3A_228 : vector<16xf32>
        %swap3A_230 = arith.index_cast %while3A_67 : i32 to index
        %swap3A_231 = arith.constant 176 : index
        %swap3A_232 = tpu.vector_load %arg7[%swap3A_230, %swap3A_231] {strides = array<i32>} : memref<64x768xf32, #tpu.memory_space<vmem>>, vector<1x16xf32>,
        %swap3A_233 = vector.shape_cast %swap3A_232 : vector<1x16xf32> to vector<16xf32>
        %swap3A_234 = vector.shape_cast %add3A_229 : vector<16xf32> to vector<1x16xf32>
        tpu.vector_store %arg7[%swap3A_230, %swap3A_231], %swap3A_234 {strides = array<i32>} : memref<64x768xf32, #tpu.memory_space<vmem>>, vector<1x16xf32>,
        %get3A_235 = arith.index_cast %while3A_67 : i32 to index
        %get3A_236 = arith.constant 192 : index
        %get3A_237 = tpu.vector_load %arg7[%get3A_235, %get3A_236] {strides = array<i32>} : memref<64x768xf32, #tpu.memory_space<vmem>>, vector<1x16xf32>,
        %get3A_238 = vector.shape_cast %get3A_237 : vector<1x16xf32> to vector<16xf32>
        %get3A_239 = arith.index_cast %while3A_67 : i32 to index
        %get3A_240 = arith.constant 192 : index
        %get3A_241 = tpu.vector_load %arg8[%get3A_239, %get3A_240] {strides = array<i32>} : memref<64x768xf32, #tpu.memory_space<vmem>>, vector<1x16xf32>,
        %get3A_242 = vector.shape_cast %get3A_241 : vector<1x16xf32> to vector<16xf32>
        %add3A_243 = arith.addf %get3A_238, %get3A_242 : vector<16xf32>
        %swap3A_244 = arith.index_cast %while3A_67 : i32 to index
        %swap3A_245 = arith.constant 192 : index
        %swap3A_246 = tpu.vector_load %arg7[%swap3A_244, %swap3A_245] {strides = array<i32>} : memref<64x768xf32, #tpu.memory_space<vmem>>, vector<1x16xf32>,
        %swap3A_247 = vector.shape_cast %swap3A_246 : vector<1x16xf32> to vector<16xf32>
        %swap3A_248 = vector.shape_cast %add3A_243 : vector<16xf32> to vector<1x16xf32>
        tpu.vector_store %arg7[%swap3A_244, %swap3A_245], %swap3A_248 {strides = array<i32>} : memref<64x768xf32, #tpu.memory_space<vmem>>, vector<1x16xf32>,
        %get3A_249 = arith.index_cast %while3A_67 : i32 to index
        %get3A_250 = arith.constant 208 : index
        %get3A_251 = tpu.vector_load %arg7[%get3A_249, %get3A_250] {strides = array<i32>} : memref<64x768xf32, #tpu.memory_space<vmem>>, vector<1x16xf32>,
        %get3A_252 = vector.shape_cast %get3A_251 : vector<1x16xf32> to vector<16xf32>
        %get3A_253 = arith.index_cast %while3A_67 : i32 to index
        %get3A_254 = arith.constant 208 : index
        %get3A_255 = tpu.vector_load %arg8[%get3A_253, %get3A_254] {strides = array<i32>} : memref<64x768xf32, #tpu.memory_space<vmem>>, vector<1x16xf32>,
        %get3A_256 = vector.shape_cast %get3A_255 : vector<1x16xf32> to vector<16xf32>
        %add3A_257 = arith.addf %get3A_252, %get3A_256 : vector<16xf32>
        %swap3A_258 = arith.index_cast %while3A_67 : i32 to index
        %swap3A_259 = arith.constant 208 : index
        %swap3A_260 = tpu.vector_load %arg7[%swap3A_258, %swap3A_259] {strides = array<i32>} : memref<64x768xf32, #tpu.memory_space<vmem>>, vector<1x16xf32>,
        %swap3A_261 = vector.shape_cast %swap3A_260 : vector<1x16xf32> to vector<16xf32>
        %swap3A_262 = vector.shape_cast %add3A_257 : vector<16xf32> to vector<1x16xf32>
        tpu.vector_store %arg7[%swap3A_258, %swap3A_259], %swap3A_262 {strides = array<i32>} : memref<64x768xf32, #tpu.memory_space<vmem>>, vector<1x16xf32>,
        %get3A_263 = arith.index_cast %while3A_67 : i32 to index
        %get3A_264 = arith.constant 224 : index
        %get3A_265 = tpu.vector_load %arg7[%get3A_263, %get3A_264] {strides = array<i32>} : memref<64x768xf32, #tpu.memory_space<vmem>>, vector<1x16xf32>,
        %get3A_266 = vector.shape_cast %get3A_265 : vector<1x16xf32> to vector<16xf32>
        %get3A_267 = arith.index_cast %while3A_67 : i32 to index
        %get3A_268 = arith.constant 224 : index
        %get3A_269 = tpu.vector_load %arg8[%get3A_267, %get3A_268] {strides = array<i32>} : memref<64x768xf32, #tpu.memory_space<vmem>>, vector<1x16xf32>,
        %get3A_270 = vector.shape_cast %get3A_269 : vector<1x16xf32> to vector<16xf32>
        %add3A_271 = arith.addf %get3A_266, %get3A_270 : vector<16xf32>
        %swap3A_272 = arith.index_cast %while3A_67 : i32 to index
        %swap3A_273 = arith.constant 224 : index
        %swap3A_274 = tpu.vector_load %arg7[%swap3A_272, %swap3A_273] {strides = array<i32>} : memref<64x768xf32, #tpu.memory_space<vmem>>, vector<1x16xf32>,
        %swap3A_275 = vector.shape_cast %swap3A_274 : vector<1x16xf32> to vector<16xf32>
        %swap3A_276 = vector.shape_cast %add3A_271 : vector<16xf32> to vector<1x16xf32>
        tpu.vector_store %arg7[%swap3A_272, %swap3A_273], %swap3A_276 {strides = array<i32>} : memref<64x768xf32, #tpu.memory_space<vmem>>, vector<1x16xf32>,
        %get3A_277 = arith.index_cast %while3A_67 : i32 to index
        %get3A_278 = arith.constant 240 : index
        %get3A_279 = tpu.vector_load %arg7[%get3A_277, %get3A_278] {strides = array<i32>} : memref<64x768xf32, #tpu.memory_space<vmem>>, vector<1x16xf32>,
        %get3A_280 = vector.shape_cast %get3A_279 : vector<1x16xf32> to vector<16xf32>
        %get3A_281 = arith.index_cast %while3A_67 : i32 to index
        %get3A_282 = arith.constant 240 : index
        %get3A_283 = tpu.vector_load %arg8[%get3A_281, %get3A_282] {strides = array<i32>} : memref<64x768xf32, #tpu.memory_space<vmem>>, vector<1x16xf32>,
        %get3A_284 = vector.shape_cast %get3A_283 : vector<1x16xf32> to vector<16xf32>
        %add3A_285 = arith.addf %get3A_280, %get3A_284 : vector<16xf32>
        %swap3A_286 = arith.index_cast %while3A_67 : i32 to index
        %swap3A_287 = arith.constant 240 : index
        %swap3A_288 = tpu.vector_load %arg7[%swap3A_286, %swap3A_287] {strides = array<i32>} : memref<64x768xf32, #tpu.memory_space<vmem>>, vector<1x16xf32>,
        %swap3A_289 = vector.shape_cast %swap3A_288 : vector<1x16xf32> to vector<16xf32>
        %swap3A_290 = vector.shape_cast %add3A_285 : vector<16xf32> to vector<1x16xf32>
        tpu.vector_store %arg7[%swap3A_286, %swap3A_287], %swap3A_290 {strides = array<i32>} : memref<64x768xf32, #tpu.memory_space<vmem>>, vector<1x16xf32>,
        %get3A_291 = arith.index_cast %while3A_67 : i32 to index
        %get3A_292 = arith.constant 256 : index
        %get3A_293 = tpu.vector_load %arg7[%get3A_291, %get3A_292] {strides = array<i32>} : memref<64x768xf32, #tpu.memory_space<vmem>>, vector<1x16xf32>,
        %get3A_294 = vector.shape_cast %get3A_293 : vector<1x16xf32> to vector<16xf32>
        %get3A_295 = arith.index_cast %while3A_67 : i32 to index
        %get3A_296 = arith.constant 256 : index
        %get3A_297 = tpu.vector_load %arg8[%get3A_295, %get3A_296] {strides = array<i32>} : memref<64x768xf32, #tpu.memory_space<vmem>>, vector<1x16xf32>,
        %get3A_298 = vector.shape_cast %get3A_297 : vector<1x16xf32> to vector<16xf32>
        %add3A_299 = arith.addf %get3A_294, %get3A_298 : vector<16xf32>
        %swap3A_300 = arith.index_cast %while3A_67 : i32 to index
        %swap3A_301 = arith.constant 256 : index
        %swap3A_302 = tpu.vector_load %arg7[%swap3A_300, %swap3A_301] {strides = array<i32>} : memref<64x768xf32, #tpu.memory_space<vmem>>, vector<1x16xf32>,
        %swap3A_303 = vector.shape_cast %swap3A_302 : vector<1x16xf32> to vector<16xf32>
        %swap3A_304 = vector.shape_cast %add3A_299 : vector<16xf32> to vector<1x16xf32>
        tpu.vector_store %arg7[%swap3A_300, %swap3A_301], %swap3A_304 {strides = array<i32>} : memref<64x768xf32, #tpu.memory_space<vmem>>, vector<1x16xf32>,
        %get3A_305 = arith.index_cast %while3A_67 : i32 to index
        %get3A_306 = arith.constant 272 : index
        %get3A_307 = tpu.vector_load %arg7[%get3A_305, %get3A_306] {strides = array<i32>} : memref<64x768xf32, #tpu.memory_space<vmem>>, vector<1x16xf32>,
        %get3A_308 = vector.shape_cast %get3A_307 : vector<1x16xf32> to vector<16xf32>
        %get3A_309 = arith.index_cast %while3A_67 : i32 to index
        %get3A_310 = arith.constant 272 : index
        %get3A_311 = tpu.vector_load %arg8[%get3A_309, %get3A_310] {strides = array<i32>} : memref<64x768xf32, #tpu.memory_space<vmem>>, vector<1x16xf32>,
        %get3A_312 = vector.shape_cast %get3A_311 : vector<1x16xf32> to vector<16xf32>
        %add3A_313 = arith.addf %get3A_308, %get3A_312 : vector<16xf32>
        %swap3A_314 = arith.index_cast %while3A_67 : i32 to index
        %swap3A_315 = arith.constant 272 : index
        %swap3A_316 = tpu.vector_load %arg7[%swap3A_314, %swap3A_315] {strides = array<i32>} : memref<64x768xf32, #tpu.memory_space<vmem>>, vector<1x16xf32>,
        %swap3A_317 = vector.shape_cast %swap3A_316 : vector<1x16xf32> to vector<16xf32>
        %swap3A_318 = vector.shape_cast %add3A_313 : vector<16xf32> to vector<1x16xf32>
        tpu.vector_store %arg7[%swap3A_314, %swap3A_315], %swap3A_318 {strides = array<i32>} : memref<64x768xf32, #tpu.memory_space<vmem>>, vector<1x16xf32>,
        %get3A_319 = arith.index_cast %while3A_67 : i32 to index
        %get3A_320 = arith.constant 288 : index
        %get3A_321 = tpu.vector_load %arg7[%get3A_319, %get3A_320] {strides = array<i32>} : memref<64x768xf32, #tpu.memory_space<vmem>>, vector<1x16xf32>,
        %get3A_322 = vector.shape_cast %get3A_321 : vector<1x16xf32> to vector<16xf32>
        %get3A_323 = arith.index_cast %while3A_67 : i32 to index
        %get3A_324 = arith.constant 288 : index
        %get3A_325 = tpu.vector_load %arg8[%get3A_323, %get3A_324] {strides = array<i32>} : memref<64x768xf32, #tpu.memory_space<vmem>>, vector<1x16xf32>,
        %get3A_326 = vector.shape_cast %get3A_325 : vector<1x16xf32> to vector<16xf32>
        %add3A_327 = arith.addf %get3A_322, %get3A_326 : vector<16xf32>
        %swap3A_328 = arith.index_cast %while3A_67 : i32 to index
        %swap3A_329 = arith.constant 288 : index
        %swap3A_330 = tpu.vector_load %arg7[%swap3A_328, %swap3A_329] {strides = array<i32>} : memref<64x768xf32, #tpu.memory_space<vmem>>, vector<1x16xf32>,
        %swap3A_331 = vector.shape_cast %swap3A_330 : vector<1x16xf32> to vector<16xf32>
        %swap3A_332 = vector.shape_cast %add3A_327 : vector<16xf32> to vector<1x16xf32>
        tpu.vector_store %arg7[%swap3A_328, %swap3A_329], %swap3A_332 {strides = array<i32>} : memref<64x768xf32, #tpu.memory_space<vmem>>, vector<1x16xf32>,
        %get3A_333 = arith.index_cast %while3A_67 : i32 to index
        %get3A_334 = arith.constant 304 : index
        %get3A_335 = tpu.vector_load %arg7[%get3A_333, %get3A_334] {strides = array<i32>} : memref<64x768xf32, #tpu.memory_space<vmem>>, vector<1x16xf32>,
        %get3A_336 = vector.shape_cast %get3A_335 : vector<1x16xf32> to vector<16xf32>
        %get3A_337 = arith.index_cast %while3A_67 : i32 to index
        %get3A_338 = arith.constant 304 : index
        %get3A_339 = tpu.vector_load %arg8[%get3A_337, %get3A_338] {strides = array<i32>} : memref<64x768xf32, #tpu.memory_space<vmem>>, vector<1x16xf32>,
        %get3A_340 = vector.shape_cast %get3A_339 : vector<1x16xf32> to vector<16xf32>
        %add3A_341 = arith.addf %get3A_336, %get3A_340 : vector<16xf32>
        %swap3A_342 = arith.index_cast %while3A_67 : i32 to index
        %swap3A_343 = arith.constant 304 : index
        %swap3A_344 = tpu.vector_load %arg7[%swap3A_342, %swap3A_343] {strides = array<i32>} : memref<64x768xf32, #tpu.memory_space<vmem>>, vector<1x16xf32>,
        %swap3A_345 = vector.shape_cast %swap3A_344 : vector<1x16xf32> to vector<16xf32>
        %swap3A_346 = vector.shape_cast %add3A_341 : vector<16xf32> to vector<1x16xf32>
        tpu.vector_store %arg7[%swap3A_342, %swap3A_343], %swap3A_346 {strides = array<i32>} : memref<64x768xf32, #tpu.memory_space<vmem>>, vector<1x16xf32>,
        %get3A_347 = arith.index_cast %while3A_67 : i32 to index
        %get3A_348 = arith.constant 320 : index
        %get3A_349 = tpu.vector_load %arg7[%get3A_347, %get3A_348] {strides = array<i32>} : memref<64x768xf32, #tpu.memory_space<vmem>>, vector<1x16xf32>,
        %get3A_350 = vector.shape_cast %get3A_349 : vector<1x16xf32> to vector<16xf32>
        %get3A_351 = arith.index_cast %while3A_67 : i32 to index
        %get3A_352 = arith.constant 320 : index
        %get3A_353 = tpu.vector_load %arg8[%get3A_351, %get3A_352] {strides = array<i32>} : memref<64x768xf32, #tpu.memory_space<vmem>>, vector<1x16xf32>,
        %get3A_354 = vector.shape_cast %get3A_353 : vector<1x16xf32> to vector<16xf32>
        %add3A_355 = arith.addf %get3A_350, %get3A_354 : vector<16xf32>
        %swap3A_356 = arith.index_cast %while3A_67 : i32 to index
        %swap3A_357 = arith.constant 320 : index
        %swap3A_358 = tpu.vector_load %arg7[%swap3A_356, %swap3A_357] {strides = array<i32>} : memref<64x768xf32, #tpu.memory_space<vmem>>, vector<1x16xf32>,
        %swap3A_359 = vector.shape_cast %swap3A_358 : vector<1x16xf32> to vector<16xf32>
        %swap3A_360 = vector.shape_cast %add3A_355 : vector<16xf32> to vector<1x16xf32>
        tpu.vector_store %arg7[%swap3A_356, %swap3A_357], %swap3A_360 {strides = array<i32>} : memref<64x768xf32, #tpu.memory_space<vmem>>, vector<1x16xf32>,
        %get3A_361 = arith.index_cast %while3A_67 : i32 to index
        %get3A_362 = arith.constant 336 : index
        %get3A_363 = tpu.vector_load %arg7[%get3A_361, %get3A_362] {strides = array<i32>} : memref<64x768xf32, #tpu.memory_space<vmem>>, vector<1x16xf32>,
        %get3A_364 = vector.shape_cast %get3A_363 : vector<1x16xf32> to vector<16xf32>
        %get3A_365 = arith.index_cast %while3A_67 : i32 to index
        %get3A_366 = arith.constant 336 : index
        %get3A_367 = tpu.vector_load %arg8[%get3A_365, %get3A_366] {strides = array<i32>} : memref<64x768xf32, #tpu.memory_space<vmem>>, vector<1x16xf32>,
        %get3A_368 = vector.shape_cast %get3A_367 : vector<1x16xf32> to vector<16xf32>
        %add3A_369 = arith.addf %get3A_364, %get3A_368 : vector<16xf32>
        %swap3A_370 = arith.index_cast %while3A_67 : i32 to index
        %swap3A_371 = arith.constant 336 : index
        %swap3A_372 = tpu.vector_load %arg7[%swap3A_370, %swap3A_371] {strides = array<i32>} : memref<64x768xf32, #tpu.memory_space<vmem>>, vector<1x16xf32>,
        %swap3A_373 = vector.shape_cast %swap3A_372 : vector<1x16xf32> to vector<16xf32>
        %swap3A_374 = vector.shape_cast %add3A_369 : vector<16xf32> to vector<1x16xf32>
        tpu.vector_store %arg7[%swap3A_370, %swap3A_371], %swap3A_374 {strides = array<i32>} : memref<64x768xf32, #tpu.memory_space<vmem>>, vector<1x16xf32>,
        %get3A_375 = arith.index_cast %while3A_67 : i32 to index
        %get3A_376 = arith.constant 352 : index
        %get3A_377 = tpu.vector_load %arg7[%get3A_375, %get3A_376] {strides = array<i32>} : memref<64x768xf32, #tpu.memory_space<vmem>>, vector<1x16xf32>,
        %get3A_378 = vector.shape_cast %get3A_377 : vector<1x16xf32> to vector<16xf32>
        %get3A_379 = arith.index_cast %while3A_67 : i32 to index
        %get3A_380 = arith.constant 352 : index
        %get3A_381 = tpu.vector_load %arg8[%get3A_379, %get3A_380] {strides = array<i32>} : memref<64x768xf32, #tpu.memory_space<vmem>>, vector<1x16xf32>,
        %get3A_382 = vector.shape_cast %get3A_381 : vector<1x16xf32> to vector<16xf32>
        %add3A_383 = arith.addf %get3A_378, %get3A_382 : vector<16xf32>
        %swap3A_384 = arith.index_cast %while3A_67 : i32 to index
        %swap3A_385 = arith.constant 352 : index
        %swap3A_386 = tpu.vector_load %arg7[%swap3A_384, %swap3A_385] {strides = array<i32>} : memref<64x768xf32, #tpu.memory_space<vmem>>, vector<1x16xf32>,
        %swap3A_387 = vector.shape_cast %swap3A_386 : vector<1x16xf32> to vector<16xf32>
        %swap3A_388 = vector.shape_cast %add3A_383 : vector<16xf32> to vector<1x16xf32>
        tpu.vector_store %arg7[%swap3A_384, %swap3A_385], %swap3A_388 {strides = array<i32>} : memref<64x768xf32, #tpu.memory_space<vmem>>, vector<1x16xf32>,
        %get3A_389 = arith.index_cast %while3A_67 : i32 to index
        %get3A_390 = arith.constant 368 : index
        %get3A_391 = tpu.vector_load %arg7[%get3A_389, %get3A_390] {strides = array<i32>} : memref<64x768xf32, #tpu.memory_space<vmem>>, vector<1x16xf32>,
        %get3A_392 = vector.shape_cast %get3A_391 : vector<1x16xf32> to vector<16xf32>
        %get3A_393 = arith.index_cast %while3A_67 : i32 to index
        %get3A_394 = arith.constant 368 : index
        %get3A_395 = tpu.vector_load %arg8[%get3A_393, %get3A_394] {strides = array<i32>} : memref<64x768xf32, #tpu.memory_space<vmem>>, vector<1x16xf32>,
        %get3A_396 = vector.shape_cast %get3A_395 : vector<1x16xf32> to vector<16xf32>
        %add3A_397 = arith.addf %get3A_392, %get3A_396 : vector<16xf32>
        %swap3A_398 = arith.index_cast %while3A_67 : i32 to index
        %swap3A_399 = arith.constant 368 : index
        %swap3A_400 = tpu.vector_load %arg7[%swap3A_398, %swap3A_399] {strides = array<i32>} : memref<64x768xf32, #tpu.memory_space<vmem>>, vector<1x16xf32>,
        %swap3A_401 = vector.shape_cast %swap3A_400 : vector<1x16xf32> to vector<16xf32>
        %swap3A_402 = vector.shape_cast %add3A_397 : vector<16xf32> to vector<1x16xf32>
        tpu.vector_store %arg7[%swap3A_398, %swap3A_399], %swap3A_402 {strides = array<i32>} : memref<64x768xf32, #tpu.memory_space<vmem>>, vector<1x16xf32>,
        %get3A_403 = arith.index_cast %while3A_67 : i32 to index
        %get3A_404 = arith.constant 384 : index
        %get3A_405 = tpu.vector_load %arg7[%get3A_403, %get3A_404] {strides = array<i32>} : memref<64x768xf32, #tpu.memory_space<vmem>>, vector<1x16xf32>,
        %get3A_406 = vector.shape_cast %get3A_405 : vector<1x16xf32> to vector<16xf32>
        %get3A_407 = arith.index_cast %while3A_67 : i32 to index
        %get3A_408 = arith.constant 384 : index
        %get3A_409 = tpu.vector_load %arg8[%get3A_407, %get3A_408] {strides = array<i32>} : memref<64x768xf32, #tpu.memory_space<vmem>>, vector<1x16xf32>,
        %get3A_410 = vector.shape_cast %get3A_409 : vector<1x16xf32> to vector<16xf32>
        %add3A_411 = arith.addf %get3A_406, %get3A_410 : vector<16xf32>
        %swap3A_412 = arith.index_cast %while3A_67 : i32 to index
        %swap3A_413 = arith.constant 384 : index
        %swap3A_414 = tpu.vector_load %arg7[%swap3A_412, %swap3A_413] {strides = array<i32>} : memref<64x768xf32, #tpu.memory_space<vmem>>, vector<1x16xf32>,
        %swap3A_415 = vector.shape_cast %swap3A_414 : vector<1x16xf32> to vector<16xf32>
        %swap3A_416 = vector.shape_cast %add3A_411 : vector<16xf32> to vector<1x16xf32>
        tpu.vector_store %arg7[%swap3A_412, %swap3A_413], %swap3A_416 {strides = array<i32>} : memref<64x768xf32, #tpu.memory_space<vmem>>, vector<1x16xf32>,
        %get3A_417 = arith.index_cast %while3A_67 : i32 to index
        %get3A_418 = arith.constant 400 : index
        %get3A_419 = tpu.vector_load %arg7[%get3A_417, %get3A_418] {strides = array<i32>} : memref<64x768xf32, #tpu.memory_space<vmem>>, vector<1x16xf32>,
        %get3A_420 = vector.shape_cast %get3A_419 : vector<1x16xf32> to vector<16xf32>
        %get3A_421 = arith.index_cast %while3A_67 : i32 to index
        %get3A_422 = arith.constant 400 : index
        %get3A_423 = tpu.vector_load %arg8[%get3A_421, %get3A_422] {strides = array<i32>} : memref<64x768xf32, #tpu.memory_space<vmem>>, vector<1x16xf32>,
        %get3A_424 = vector.shape_cast %get3A_423 : vector<1x16xf32> to vector<16xf32>
        %add3A_425 = arith.addf %get3A_420, %get3A_424 : vector<16xf32>
        %swap3A_426 = arith.index_cast %while3A_67 : i32 to index
        %swap3A_427 = arith.constant 400 : index
        %swap3A_428 = tpu.vector_load %arg7[%swap3A_426, %swap3A_427] {strides = array<i32>} : memref<64x768xf32, #tpu.memory_space<vmem>>, vector<1x16xf32>,
        %swap3A_429 = vector.shape_cast %swap3A_428 : vector<1x16xf32> to vector<16xf32>
        %swap3A_430 = vector.shape_cast %add3A_425 : vector<16xf32> to vector<1x16xf32>
        tpu.vector_store %arg7[%swap3A_426, %swap3A_427], %swap3A_430 {strides = array<i32>} : memref<64x768xf32, #tpu.memory_space<vmem>>, vector<1x16xf32>,
        %get3A_431 = arith.index_cast %while3A_67 : i32 to index
        %get3A_432 = arith.constant 416 : index
        %get3A_433 = tpu.vector_load %arg7[%get3A_431, %get3A_432] {strides = array<i32>} : memref<64x768xf32, #tpu.memory_space<vmem>>, vector<1x16xf32>,
        %get3A_434 = vector.shape_cast %get3A_433 : vector<1x16xf32> to vector<16xf32>
        %get3A_435 = arith.index_cast %while3A_67 : i32 to index
        %get3A_436 = arith.constant 416 : index
        %get3A_437 = tpu.vector_load %arg8[%get3A_435, %get3A_436] {strides = array<i32>} : memref<64x768xf32, #tpu.memory_space<vmem>>, vector<1x16xf32>,
        %get3A_438 = vector.shape_cast %get3A_437 : vector<1x16xf32> to vector<16xf32>
        %add3A_439 = arith.addf %get3A_434, %get3A_438 : vector<16xf32>
        %swap3A_440 = arith.index_cast %while3A_67 : i32 to index
        %swap3A_441 = arith.constant 416 : index
        %swap3A_442 = tpu.vector_load %arg7[%swap3A_440, %swap3A_441] {strides = array<i32>} : memref<64x768xf32, #tpu.memory_space<vmem>>, vector<1x16xf32>,
        %swap3A_443 = vector.shape_cast %swap3A_442 : vector<1x16xf32> to vector<16xf32>
        %swap3A_444 = vector.shape_cast %add3A_439 : vector<16xf32> to vector<1x16xf32>
        tpu.vector_store %arg7[%swap3A_440, %swap3A_441], %swap3A_444 {strides = array<i32>} : memref<64x768xf32, #tpu.memory_space<vmem>>, vector<1x16xf32>,
        %get3A_445 = arith.index_cast %while3A_67 : i32 to index
        %get3A_446 = arith.constant 432 : index
        %get3A_447 = tpu.vector_load %arg7[%get3A_445, %get3A_446] {strides = array<i32>} : memref<64x768xf32, #tpu.memory_space<vmem>>, vector<1x16xf32>,
        %get3A_448 = vector.shape_cast %get3A_447 : vector<1x16xf32> to vector<16xf32>
        %get3A_449 = arith.index_cast %while3A_67 : i32 to index
        %get3A_450 = arith.constant 432 : index
        %get3A_451 = tpu.vector_load %arg8[%get3A_449, %get3A_450] {strides = array<i32>} : memref<64x768xf32, #tpu.memory_space<vmem>>, vector<1x16xf32>,
        %get3A_452 = vector.shape_cast %get3A_451 : vector<1x16xf32> to vector<16xf32>
        %add3A_453 = arith.addf %get3A_448, %get3A_452 : vector<16xf32>
        %swap3A_454 = arith.index_cast %while3A_67 : i32 to index
        %swap3A_455 = arith.constant 432 : index
        %swap3A_456 = tpu.vector_load %arg7[%swap3A_454, %swap3A_455] {strides = array<i32>} : memref<64x768xf32, #tpu.memory_space<vmem>>, vector<1x16xf32>,
        %swap3A_457 = vector.shape_cast %swap3A_456 : vector<1x16xf32> to vector<16xf32>
        %swap3A_458 = vector.shape_cast %add3A_453 : vector<16xf32> to vector<1x16xf32>
        tpu.vector_store %arg7[%swap3A_454, %swap3A_455], %swap3A_458 {strides = array<i32>} : memref<64x768xf32, #tpu.memory_space<vmem>>, vector<1x16xf32>,
        %get3A_459 = arith.index_cast %while3A_67 : i32 to index
        %get3A_460 = arith.constant 448 : index
        %get3A_461 = tpu.vector_load %arg7[%get3A_459, %get3A_460] {strides = array<i32>} : memref<64x768xf32, #tpu.memory_space<vmem>>, vector<1x16xf32>,
        %get3A_462 = vector.shape_cast %get3A_461 : vector<1x16xf32> to vector<16xf32>
        %get3A_463 = arith.index_cast %while3A_67 : i32 to index
        %get3A_464 = arith.constant 448 : index
        %get3A_465 = tpu.vector_load %arg8[%get3A_463, %get3A_464] {strides = array<i32>} : memref<64x768xf32, #tpu.memory_space<vmem>>, vector<1x16xf32>,
        %get3A_466 = vector.shape_cast %get3A_465 : vector<1x16xf32> to vector<16xf32>
        %add3A_467 = arith.addf %get3A_462, %get3A_466 : vector<16xf32>
        %swap3A_468 = arith.index_cast %while3A_67 : i32 to index
        %swap3A_469 = arith.constant 448 : index
        %swap3A_470 = tpu.vector_load %arg7[%swap3A_468, %swap3A_469] {strides = array<i32>} : memref<64x768xf32, #tpu.memory_space<vmem>>, vector<1x16xf32>,
        %swap3A_471 = vector.shape_cast %swap3A_470 : vector<1x16xf32> to vector<16xf32>
        %swap3A_472 = vector.shape_cast %add3A_467 : vector<16xf32> to vector<1x16xf32>
        tpu.vector_store %arg7[%swap3A_468, %swap3A_469], %swap3A_472 {strides = array<i32>} : memref<64x768xf32, #tpu.memory_space<vmem>>, vector<1x16xf32>,
        %get3A_473 = arith.index_cast %while3A_67 : i32 to index
        %get3A_474 = arith.constant 464 : index
        %get3A_475 = tpu.vector_load %arg7[%get3A_473, %get3A_474] {strides = array<i32>} : memref<64x768xf32, #tpu.memory_space<vmem>>, vector<1x16xf32>,
        %get3A_476 = vector.shape_cast %get3A_475 : vector<1x16xf32> to vector<16xf32>
        %get3A_477 = arith.index_cast %while3A_67 : i32 to index
        %get3A_478 = arith.constant 464 : index
        %get3A_479 = tpu.vector_load %arg8[%get3A_477, %get3A_478] {strides = array<i32>} : memref<64x768xf32, #tpu.memory_space<vmem>>, vector<1x16xf32>,
        %get3A_480 = vector.shape_cast %get3A_479 : vector<1x16xf32> to vector<16xf32>
        %add3A_481 = arith.addf %get3A_476, %get3A_480 : vector<16xf32>
        %swap3A_482 = arith.index_cast %while3A_67 : i32 to index
        %swap3A_483 = arith.constant 464 : index
        %swap3A_484 = tpu.vector_load %arg7[%swap3A_482, %swap3A_483] {strides = array<i32>} : memref<64x768xf32, #tpu.memory_space<vmem>>, vector<1x16xf32>,
        %swap3A_485 = vector.shape_cast %swap3A_484 : vector<1x16xf32> to vector<16xf32>
        %swap3A_486 = vector.shape_cast %add3A_481 : vector<16xf32> to vector<1x16xf32>
        tpu.vector_store %arg7[%swap3A_482, %swap3A_483], %swap3A_486 {strides = array<i32>} : memref<64x768xf32, #tpu.memory_space<vmem>>, vector<1x16xf32>,
        %get3A_487 = arith.index_cast %while3A_67 : i32 to index
        %get3A_488 = arith.constant 480 : index
        %get3A_489 = tpu.vector_load %arg7[%get3A_487, %get3A_488] {strides = array<i32>} : memref<64x768xf32, #tpu.memory_space<vmem>>, vector<1x16xf32>,
        %get3A_490 = vector.shape_cast %get3A_489 : vector<1x16xf32> to vector<16xf32>
        %get3A_491 = arith.index_cast %while3A_67 : i32 to index
        %get3A_492 = arith.constant 480 : index
        %get3A_493 = tpu.vector_load %arg8[%get3A_491, %get3A_492] {strides = array<i32>} : memref<64x768xf32, #tpu.memory_space<vmem>>, vector<1x16xf32>,
        %get3A_494 = vector.shape_cast %get3A_493 : vector<1x16xf32> to vector<16xf32>
        %add3A_495 = arith.addf %get3A_490, %get3A_494 : vector<16xf32>
        %swap3A_496 = arith.index_cast %while3A_67 : i32 to index
        %swap3A_497 = arith.constant 480 : index
        %swap3A_498 = tpu.vector_load %arg7[%swap3A_496, %swap3A_497] {strides = array<i32>} : memref<64x768xf32, #tpu.memory_space<vmem>>, vector<1x16xf32>,
        %swap3A_499 = vector.shape_cast %swap3A_498 : vector<1x16xf32> to vector<16xf32>
        %swap3A_500 = vector.shape_cast %add3A_495 : vector<16xf32> to vector<1x16xf32>
        tpu.vector_store %arg7[%swap3A_496, %swap3A_497], %swap3A_500 {strides = array<i32>} : memref<64x768xf32, #tpu.memory_space<vmem>>, vector<1x16xf32>,
        %get3A_501 = arith.index_cast %while3A_67 : i32 to index
        %get3A_502 = arith.constant 496 : index
        %get3A_503 = tpu.vector_load %arg7[%get3A_501, %get3A_502] {strides = array<i32>} : memref<64x768xf32, #tpu.memory_space<vmem>>, vector<1x16xf32>,
        %get3A_504 = vector.shape_cast %get3A_503 : vector<1x16xf32> to vector<16xf32>
        %get3A_505 = arith.index_cast %while3A_67 : i32 to index
        %get3A_506 = arith.constant 496 : index
        %get3A_507 = tpu.vector_load %arg8[%get3A_505, %get3A_506] {strides = array<i32>} : memref<64x768xf32, #tpu.memory_space<vmem>>, vector<1x16xf32>,
        %get3A_508 = vector.shape_cast %get3A_507 : vector<1x16xf32> to vector<16xf32>
        %add3A_509 = arith.addf %get3A_504, %get3A_508 : vector<16xf32>
        %swap3A_510 = arith.index_cast %while3A_67 : i32 to index
        %swap3A_511 = arith.constant 496 : index
        %swap3A_512 = tpu.vector_load %arg7[%swap3A_510, %swap3A_511] {strides = array<i32>} : memref<64x768xf32, #tpu.memory_space<vmem>>, vector<1x16xf32>,
        %swap3A_513 = vector.shape_cast %swap3A_512 : vector<1x16xf32> to vector<16xf32>
        %swap3A_514 = vector.shape_cast %add3A_509 : vector<16xf32> to vector<1x16xf32>
        tpu.vector_store %arg7[%swap3A_510, %swap3A_511], %swap3A_514 {strides = array<i32>} : memref<64x768xf32, #tpu.memory_space<vmem>>, vector<1x16xf32>,
        %get3A_515 = arith.index_cast %while3A_67 : i32 to index
        %get3A_516 = arith.constant 512 : index
        %get3A_517 = tpu.vector_load %arg7[%get3A_515, %get3A_516] {strides = array<i32>} : memref<64x768xf32, #tpu.memory_space<vmem>>, vector<1x16xf32>,
        %get3A_518 = vector.shape_cast %get3A_517 : vector<1x16xf32> to vector<16xf32>
        %get3A_519 = arith.index_cast %while3A_67 : i32 to index
        %get3A_520 = arith.constant 512 : index
        %get3A_521 = tpu.vector_load %arg8[%get3A_519, %get3A_520] {strides = array<i32>} : memref<64x768xf32, #tpu.memory_space<vmem>>, vector<1x16xf32>,
        %get3A_522 = vector.shape_cast %get3A_521 : vector<1x16xf32> to vector<16xf32>
        %add3A_523 = arith.addf %get3A_518, %get3A_522 : vector<16xf32>
        %swap3A_524 = arith.index_cast %while3A_67 : i32 to index
        %swap3A_525 = arith.constant 512 : index
        %swap3A_526 = tpu.vector_load %arg7[%swap3A_524, %swap3A_525] {strides = array<i32>} : memref<64x768xf32, #tpu.memory_space<vmem>>, vector<1x16xf32>,
        %swap3A_527 = vector.shape_cast %swap3A_526 : vector<1x16xf32> to vector<16xf32>
        %swap3A_528 = vector.shape_cast %add3A_523 : vector<16xf32> to vector<1x16xf32>
        tpu.vector_store %arg7[%swap3A_524, %swap3A_525], %swap3A_528 {strides = array<i32>} : memref<64x768xf32, #tpu.memory_space<vmem>>, vector<1x16xf32>,
        %get3A_529 = arith.index_cast %while3A_67 : i32 to index
        %get3A_530 = arith.constant 528 : index
        %get3A_531 = tpu.vector_load %arg7[%get3A_529, %get3A_530] {strides = array<i32>} : memref<64x768xf32, #tpu.memory_space<vmem>>, vector<1x16xf32>,
        %get3A_532 = vector.shape_cast %get3A_531 : vector<1x16xf32> to vector<16xf32>
        %get3A_533 = arith.index_cast %while3A_67 : i32 to index
        %get3A_534 = arith.constant 528 : index
        %get3A_535 = tpu.vector_load %arg8[%get3A_533, %get3A_534] {strides = array<i32>} : memref<64x768xf32, #tpu.memory_space<vmem>>, vector<1x16xf32>,
        %get3A_536 = vector.shape_cast %get3A_535 : vector<1x16xf32> to vector<16xf32>
        %add3A_537 = arith.addf %get3A_532, %get3A_536 : vector<16xf32>
        %swap3A_538 = arith.index_cast %while3A_67 : i32 to index
        %swap3A_539 = arith.constant 528 : index
        %swap3A_540 = tpu.vector_load %arg7[%swap3A_538, %swap3A_539] {strides = array<i32>} : memref<64x768xf32, #tpu.memory_space<vmem>>, vector<1x16xf32>,
        %swap3A_541 = vector.shape_cast %swap3A_540 : vector<1x16xf32> to vector<16xf32>
        %swap3A_542 = vector.shape_cast %add3A_537 : vector<16xf32> to vector<1x16xf32>
        tpu.vector_store %arg7[%swap3A_538, %swap3A_539], %swap3A_542 {strides = array<i32>} : memref<64x768xf32, #tpu.memory_space<vmem>>, vector<1x16xf32>,
        %get3A_543 = arith.index_cast %while3A_67 : i32 to index
        %get3A_544 = arith.constant 544 : index
        %get3A_545 = tpu.vector_load %arg7[%get3A_543, %get3A_544] {strides = array<i32>} : memref<64x768xf32, #tpu.memory_space<vmem>>, vector<1x16xf32>,
        %get3A_546 = vector.shape_cast %get3A_545 : vector<1x16xf32> to vector<16xf32>
        %get3A_547 = arith.index_cast %while3A_67 : i32 to index
        %get3A_548 = arith.constant 544 : index
        %get3A_549 = tpu.vector_load %arg8[%get3A_547, %get3A_548] {strides = array<i32>} : memref<64x768xf32, #tpu.memory_space<vmem>>, vector<1x16xf32>,
        %get3A_550 = vector.shape_cast %get3A_549 : vector<1x16xf32> to vector<16xf32>
        %add3A_551 = arith.addf %get3A_546, %get3A_550 : vector<16xf32>
        %swap3A_552 = arith.index_cast %while3A_67 : i32 to index
        %swap3A_553 = arith.constant 544 : index
        %swap3A_554 = tpu.vector_load %arg7[%swap3A_552, %swap3A_553] {strides = array<i32>} : memref<64x768xf32, #tpu.memory_space<vmem>>, vector<1x16xf32>,
        %swap3A_555 = vector.shape_cast %swap3A_554 : vector<1x16xf32> to vector<16xf32>
        %swap3A_556 = vector.shape_cast %add3A_551 : vector<16xf32> to vector<1x16xf32>
        tpu.vector_store %arg7[%swap3A_552, %swap3A_553], %swap3A_556 {strides = array<i32>} : memref<64x768xf32, #tpu.memory_space<vmem>>, vector<1x16xf32>,
        %get3A_557 = arith.index_cast %while3A_67 : i32 to index
        %get3A_558 = arith.constant 560 : index
        %get3A_559 = tpu.vector_load %arg7[%get3A_557, %get3A_558] {strides = array<i32>} : memref<64x768xf32, #tpu.memory_space<vmem>>, vector<1x16xf32>,
        %get3A_560 = vector.shape_cast %get3A_559 : vector<1x16xf32> to vector<16xf32>
        %get3A_561 = arith.index_cast %while3A_67 : i32 to index
        %get3A_562 = arith.constant 560 : index
        %get3A_563 = tpu.vector_load %arg8[%get3A_561, %get3A_562] {strides = array<i32>} : memref<64x768xf32, #tpu.memory_space<vmem>>, vector<1x16xf32>,
        %get3A_564 = vector.shape_cast %get3A_563 : vector<1x16xf32> to vector<16xf32>
        %add3A_565 = arith.addf %get3A_560, %get3A_564 : vector<16xf32>
        %swap3A_566 = arith.index_cast %while3A_67 : i32 to index
        %swap3A_567 = arith.constant 560 : index
        %swap3A_568 = tpu.vector_load %arg7[%swap3A_566, %swap3A_567] {strides = array<i32>} : memref<64x768xf32, #tpu.memory_space<vmem>>, vector<1x16xf32>,
        %swap3A_569 = vector.shape_cast %swap3A_568 : vector<1x16xf32> to vector<16xf32>
        %swap3A_570 = vector.shape_cast %add3A_565 : vector<16xf32> to vector<1x16xf32>
        tpu.vector_store %arg7[%swap3A_566, %swap3A_567], %swap3A_570 {strides = array<i32>} : memref<64x768xf32, #tpu.memory_space<vmem>>, vector<1x16xf32>,
        %get3A_571 = arith.index_cast %while3A_67 : i32 to index
        %get3A_572 = arith.constant 576 : index
        %get3A_573 = tpu.vector_load %arg7[%get3A_571, %get3A_572] {strides = array<i32>} : memref<64x768xf32, #tpu.memory_space<vmem>>, vector<1x16xf32>,
        %get3A_574 = vector.shape_cast %get3A_573 : vector<1x16xf32> to vector<16xf32>
        %get3A_575 = arith.index_cast %while3A_67 : i32 to index
        %get3A_576 = arith.constant 576 : index
        %get3A_577 = tpu.vector_load %arg8[%get3A_575, %get3A_576] {strides = array<i32>} : memref<64x768xf32, #tpu.memory_space<vmem>>, vector<1x16xf32>,
        %get3A_578 = vector.shape_cast %get3A_577 : vector<1x16xf32> to vector<16xf32>
        %add3A_579 = arith.addf %get3A_574, %get3A_578 : vector<16xf32>
        %swap3A_580 = arith.index_cast %while3A_67 : i32 to index
        %swap3A_581 = arith.constant 576 : index
        %swap3A_582 = tpu.vector_load %arg7[%swap3A_580, %swap3A_581] {strides = array<i32>} : memref<64x768xf32, #tpu.memory_space<vmem>>, vector<1x16xf32>,
        %swap3A_583 = vector.shape_cast %swap3A_582 : vector<1x16xf32> to vector<16xf32>
        %swap3A_584 = vector.shape_cast %add3A_579 : vector<16xf32> to vector<1x16xf32>
        tpu.vector_store %arg7[%swap3A_580, %swap3A_581], %swap3A_584 {strides = array<i32>} : memref<64x768xf32, #tpu.memory_space<vmem>>, vector<1x16xf32>,
        %get3A_585 = arith.index_cast %while3A_67 : i32 to index
        %get3A_586 = arith.constant 592 : index
        %get3A_587 = tpu.vector_load %arg7[%get3A_585, %get3A_586] {strides = array<i32>} : memref<64x768xf32, #tpu.memory_space<vmem>>, vector<1x16xf32>,
        %get3A_588 = vector.shape_cast %get3A_587 : vector<1x16xf32> to vector<16xf32>
        %get3A_589 = arith.index_cast %while3A_67 : i32 to index
        %get3A_590 = arith.constant 592 : index
        %get3A_591 = tpu.vector_load %arg8[%get3A_589, %get3A_590] {strides = array<i32>} : memref<64x768xf32, #tpu.memory_space<vmem>>, vector<1x16xf32>,
        %get3A_592 = vector.shape_cast %get3A_591 : vector<1x16xf32> to vector<16xf32>
        %add3A_593 = arith.addf %get3A_588, %get3A_592 : vector<16xf32>
        %swap3A_594 = arith.index_cast %while3A_67 : i32 to index
        %swap3A_595 = arith.constant 592 : index
        %swap3A_596 = tpu.vector_load %arg7[%swap3A_594, %swap3A_595] {strides = array<i32>} : memref<64x768xf32, #tpu.memory_space<vmem>>, vector<1x16xf32>,
        %swap3A_597 = vector.shape_cast %swap3A_596 : vector<1x16xf32> to vector<16xf32>
        %swap3A_598 = vector.shape_cast %add3A_593 : vector<16xf32> to vector<1x16xf32>
        tpu.vector_store %arg7[%swap3A_594, %swap3A_595], %swap3A_598 {strides = array<i32>} : memref<64x768xf32, #tpu.memory_space<vmem>>, vector<1x16xf32>,
        %get3A_599 = arith.index_cast %while3A_67 : i32 to index
        %get3A_600 = arith.constant 608 : index
        %get3A_601 = tpu.vector_load %arg7[%get3A_599, %get3A_600] {strides = array<i32>} : memref<64x768xf32, #tpu.memory_space<vmem>>, vector<1x16xf32>,
        %get3A_602 = vector.shape_cast %get3A_601 : vector<1x16xf32> to vector<16xf32>
        %get3A_603 = arith.index_cast %while3A_67 : i32 to index
        %get3A_604 = arith.constant 608 : index
        %get3A_605 = tpu.vector_load %arg8[%get3A_603, %get3A_604] {strides = array<i32>} : memref<64x768xf32, #tpu.memory_space<vmem>>, vector<1x16xf32>,
        %get3A_606 = vector.shape_cast %get3A_605 : vector<1x16xf32> to vector<16xf32>
        %add3A_607 = arith.addf %get3A_602, %get3A_606 : vector<16xf32>
        %swap3A_608 = arith.index_cast %while3A_67 : i32 to index
        %swap3A_609 = arith.constant 608 : index
        %swap3A_610 = tpu.vector_load %arg7[%swap3A_608, %swap3A_609] {strides = array<i32>} : memref<64x768xf32, #tpu.memory_space<vmem>>, vector<1x16xf32>,
        %swap3A_611 = vector.shape_cast %swap3A_610 : vector<1x16xf32> to vector<16xf32>
        %swap3A_612 = vector.shape_cast %add3A_607 : vector<16xf32> to vector<1x16xf32>
        tpu.vector_store %arg7[%swap3A_608, %swap3A_609], %swap3A_612 {strides = array<i32>} : memref<64x768xf32, #tpu.memory_space<vmem>>, vector<1x16xf32>,
        %get3A_613 = arith.index_cast %while3A_67 : i32 to index
        %get3A_614 = arith.constant 624 : index
        %get3A_615 = tpu.vector_load %arg7[%get3A_613, %get3A_614] {strides = array<i32>} : memref<64x768xf32, #tpu.memory_space<vmem>>, vector<1x16xf32>,
        %get3A_616 = vector.shape_cast %get3A_615 : vector<1x16xf32> to vector<16xf32>
        %get3A_617 = arith.index_cast %while3A_67 : i32 to index
        %get3A_618 = arith.constant 624 : index
        %get3A_619 = tpu.vector_load %arg8[%get3A_617, %get3A_618] {strides = array<i32>} : memref<64x768xf32, #tpu.memory_space<vmem>>, vector<1x16xf32>,
        %get3A_620 = vector.shape_cast %get3A_619 : vector<1x16xf32> to vector<16xf32>
        %add3A_621 = arith.addf %get3A_616, %get3A_620 : vector<16xf32>
        %swap3A_622 = arith.index_cast %while3A_67 : i32 to index
        %swap3A_623 = arith.constant 624 : index
        %swap3A_624 = tpu.vector_load %arg7[%swap3A_622, %swap3A_623] {strides = array<i32>} : memref<64x768xf32, #tpu.memory_space<vmem>>, vector<1x16xf32>,
        %swap3A_625 = vector.shape_cast %swap3A_624 : vector<1x16xf32> to vector<16xf32>
        %swap3A_626 = vector.shape_cast %add3A_621 : vector<16xf32> to vector<1x16xf32>
        tpu.vector_store %arg7[%swap3A_622, %swap3A_623], %swap3A_626 {strides = array<i32>} : memref<64x768xf32, #tpu.memory_space<vmem>>, vector<1x16xf32>,
        %get3A_627 = arith.index_cast %while3A_67 : i32 to index
        %get3A_628 = arith.constant 640 : index
        %get3A_629 = tpu.vector_load %arg7[%get3A_627, %get3A_628] {strides = array<i32>} : memref<64x768xf32, #tpu.memory_space<vmem>>, vector<1x16xf32>,
        %get3A_630 = vector.shape_cast %get3A_629 : vector<1x16xf32> to vector<16xf32>
        %get3A_631 = arith.index_cast %while3A_67 : i32 to index
        %get3A_632 = arith.constant 640 : index
        %get3A_633 = tpu.vector_load %arg8[%get3A_631, %get3A_632] {strides = array<i32>} : memref<64x768xf32, #tpu.memory_space<vmem>>, vector<1x16xf32>,
        %get3A_634 = vector.shape_cast %get3A_633 : vector<1x16xf32> to vector<16xf32>
        %add3A_635 = arith.addf %get3A_630, %get3A_634 : vector<16xf32>
        %swap3A_636 = arith.index_cast %while3A_67 : i32 to index
        %swap3A_637 = arith.constant 640 : index
        %swap3A_638 = tpu.vector_load %arg7[%swap3A_636, %swap3A_637] {strides = array<i32>} : memref<64x768xf32, #tpu.memory_space<vmem>>, vector<1x16xf32>,
        %swap3A_639 = vector.shape_cast %swap3A_638 : vector<1x16xf32> to vector<16xf32>
        %swap3A_640 = vector.shape_cast %add3A_635 : vector<16xf32> to vector<1x16xf32>
        tpu.vector_store %arg7[%swap3A_636, %swap3A_637], %swap3A_640 {strides = array<i32>} : memref<64x768xf32, #tpu.memory_space<vmem>>, vector<1x16xf32>,
        %get3A_641 = arith.index_cast %while3A_67 : i32 to index
        %get3A_642 = arith.constant 656 : index
        %get3A_643 = tpu.vector_load %arg7[%get3A_641, %get3A_642] {strides = array<i32>} : memref<64x768xf32, #tpu.memory_space<vmem>>, vector<1x16xf32>,
        %get3A_644 = vector.shape_cast %get3A_643 : vector<1x16xf32> to vector<16xf32>
        %get3A_645 = arith.index_cast %while3A_67 : i32 to index
        %get3A_646 = arith.constant 656 : index
        %get3A_647 = tpu.vector_load %arg8[%get3A_645, %get3A_646] {strides = array<i32>} : memref<64x768xf32, #tpu.memory_space<vmem>>, vector<1x16xf32>,
        %get3A_648 = vector.shape_cast %get3A_647 : vector<1x16xf32> to vector<16xf32>
        %add3A_649 = arith.addf %get3A_644, %get3A_648 : vector<16xf32>
        %swap3A_650 = arith.index_cast %while3A_67 : i32 to index
        %swap3A_651 = arith.constant 656 : index
        %swap3A_652 = tpu.vector_load %arg7[%swap3A_650, %swap3A_651] {strides = array<i32>} : memref<64x768xf32, #tpu.memory_space<vmem>>, vector<1x16xf32>,
        %swap3A_653 = vector.shape_cast %swap3A_652 : vector<1x16xf32> to vector<16xf32>
        %swap3A_654 = vector.shape_cast %add3A_649 : vector<16xf32> to vector<1x16xf32>
        tpu.vector_store %arg7[%swap3A_650, %swap3A_651], %swap3A_654 {strides = array<i32>} : memref<64x768xf32, #tpu.memory_space<vmem>>, vector<1x16xf32>,
        %get3A_655 = arith.index_cast %while3A_67 : i32 to index
        %get3A_656 = arith.constant 672 : index
        %get3A_657 = tpu.vector_load %arg7[%get3A_655, %get3A_656] {strides = array<i32>} : memref<64x768xf32, #tpu.memory_space<vmem>>, vector<1x16xf32>,
        %get3A_658 = vector.shape_cast %get3A_657 : vector<1x16xf32> to vector<16xf32>
        %get3A_659 = arith.index_cast %while3A_67 : i32 to index
        %get3A_660 = arith.constant 672 : index
        %get3A_661 = tpu.vector_load %arg8[%get3A_659, %get3A_660] {strides = array<i32>} : memref<64x768xf32, #tpu.memory_space<vmem>>, vector<1x16xf32>,
        %get3A_662 = vector.shape_cast %get3A_661 : vector<1x16xf32> to vector<16xf32>
        %add3A_663 = arith.addf %get3A_658, %get3A_662 : vector<16xf32>
        %swap3A_664 = arith.index_cast %while3A_67 : i32 to index
        %swap3A_665 = arith.constant 672 : index
        %swap3A_666 = tpu.vector_load %arg7[%swap3A_664, %swap3A_665] {strides = array<i32>} : memref<64x768xf32, #tpu.memory_space<vmem>>, vector<1x16xf32>,
        %swap3A_667 = vector.shape_cast %swap3A_666 : vector<1x16xf32> to vector<16xf32>
        %swap3A_668 = vector.shape_cast %add3A_663 : vector<16xf32> to vector<1x16xf32>
        tpu.vector_store %arg7[%swap3A_664, %swap3A_665], %swap3A_668 {strides = array<i32>} : memref<64x768xf32, #tpu.memory_space<vmem>>, vector<1x16xf32>,
        %get3A_669 = arith.index_cast %while3A_67 : i32 to index
        %get3A_670 = arith.constant 688 : index
        %get3A_671 = tpu.vector_load %arg7[%get3A_669, %get3A_670] {strides = array<i32>} : memref<64x768xf32, #tpu.memory_space<vmem>>, vector<1x16xf32>,
        %get3A_672 = vector.shape_cast %get3A_671 : vector<1x16xf32> to vector<16xf32>
        %get3A_673 = arith.index_cast %while3A_67 : i32 to index
        %get3A_674 = arith.constant 688 : index
        %get3A_675 = tpu.vector_load %arg8[%get3A_673, %get3A_674] {strides = array<i32>} : memref<64x768xf32, #tpu.memory_space<vmem>>, vector<1x16xf32>,
        %get3A_676 = vector.shape_cast %get3A_675 : vector<1x16xf32> to vector<16xf32>
        %add3A_677 = arith.addf %get3A_672, %get3A_676 : vector<16xf32>
        %swap3A_678 = arith.index_cast %while3A_67 : i32 to index
        %swap3A_679 = arith.constant 688 : index
        %swap3A_680 = tpu.vector_load %arg7[%swap3A_678, %swap3A_679] {strides = array<i32>} : memref<64x768xf32, #tpu.memory_space<vmem>>, vector<1x16xf32>,
        %swap3A_681 = vector.shape_cast %swap3A_680 : vector<1x16xf32> to vector<16xf32>
        %swap3A_682 = vector.shape_cast %add3A_677 : vector<16xf32> to vector<1x16xf32>
        tpu.vector_store %arg7[%swap3A_678, %swap3A_679], %swap3A_682 {strides = array<i32>} : memref<64x768xf32, #tpu.memory_space<vmem>>, vector<1x16xf32>,
        %get3A_683 = arith.index_cast %while3A_67 : i32 to index
        %get3A_684 = arith.constant 704 : index
        %get3A_685 = tpu.vector_load %arg7[%get3A_683, %get3A_684] {strides = array<i32>} : memref<64x768xf32, #tpu.memory_space<vmem>>, vector<1x16xf32>,
        %get3A_686 = vector.shape_cast %get3A_685 : vector<1x16xf32> to vector<16xf32>
        %get3A_687 = arith.index_cast %while3A_67 : i32 to index
        %get3A_688 = arith.constant 704 : index
        %get3A_689 = tpu.vector_load %arg8[%get3A_687, %get3A_688] {strides = array<i32>} : memref<64x768xf32, #tpu.memory_space<vmem>>, vector<1x16xf32>,
        %get3A_690 = vector.shape_cast %get3A_689 : vector<1x16xf32> to vector<16xf32>
        %add3A_691 = arith.addf %get3A_686, %get3A_690 : vector<16xf32>
        %swap3A_692 = arith.index_cast %while3A_67 : i32 to index
        %swap3A_693 = arith.constant 704 : index
        %swap3A_694 = tpu.vector_load %arg7[%swap3A_692, %swap3A_693] {strides = array<i32>} : memref<64x768xf32, #tpu.memory_space<vmem>>, vector<1x16xf32>,
        %swap3A_695 = vector.shape_cast %swap3A_694 : vector<1x16xf32> to vector<16xf32>
        %swap3A_696 = vector.shape_cast %add3A_691 : vector<16xf32> to vector<1x16xf32>
        tpu.vector_store %arg7[%swap3A_692, %swap3A_693], %swap3A_696 {strides = array<i32>} : memref<64x768xf32, #tpu.memory_space<vmem>>, vector<1x16xf32>,
        %get3A_697 = arith.index_cast %while3A_67 : i32 to index
        %get3A_698 = arith.constant 720 : index
        %get3A_699 = tpu.vector_load %arg7[%get3A_697, %get3A_698] {strides = array<i32>} : memref<64x768xf32, #tpu.memory_space<vmem>>, vector<1x16xf32>,
        %get3A_700 = vector.shape_cast %get3A_699 : vector<1x16xf32> to vector<16xf32>
        %get3A_701 = arith.index_cast %while3A_67 : i32 to index
        %get3A_702 = arith.constant 720 : index
        %get3A_703 = tpu.vector_load %arg8[%get3A_701, %get3A_702] {strides = array<i32>} : memref<64x768xf32, #tpu.memory_space<vmem>>, vector<1x16xf32>,
        %get3A_704 = vector.shape_cast %get3A_703 : vector<1x16xf32> to vector<16xf32>
        %add3A_705 = arith.addf %get3A_700, %get3A_704 : vector<16xf32>
        %swap3A_706 = arith.index_cast %while3A_67 : i32 to index
        %swap3A_707 = arith.constant 720 : index
        %swap3A_708 = tpu.vector_load %arg7[%swap3A_706, %swap3A_707] {strides = array<i32>} : memref<64x768xf32, #tpu.memory_space<vmem>>, vector<1x16xf32>,
        %swap3A_709 = vector.shape_cast %swap3A_708 : vector<1x16xf32> to vector<16xf32>
        %swap3A_710 = vector.shape_cast %add3A_705 : vector<16xf32> to vector<1x16xf32>
        tpu.vector_store %arg7[%swap3A_706, %swap3A_707], %swap3A_710 {strides = array<i32>} : memref<64x768xf32, #tpu.memory_space<vmem>>, vector<1x16xf32>,
        %get3A_711 = arith.index_cast %while3A_67 : i32 to index
        %get3A_712 = arith.constant 736 : index
        %get3A_713 = tpu.vector_load %arg7[%get3A_711, %get3A_712] {strides = array<i32>} : memref<64x768xf32, #tpu.memory_space<vmem>>, vector<1x16xf32>,
        %get3A_714 = vector.shape_cast %get3A_713 : vector<1x16xf32> to vector<16xf32>
        %get3A_715 = arith.index_cast %while3A_67 : i32 to index
        %get3A_716 = arith.constant 736 : index
        %get3A_717 = tpu.vector_load %arg8[%get3A_715, %get3A_716] {strides = array<i32>} : memref<64x768xf32, #tpu.memory_space<vmem>>, vector<1x16xf32>,
        %get3A_718 = vector.shape_cast %get3A_717 : vector<1x16xf32> to vector<16xf32>
        %add3A_719 = arith.addf %get3A_714, %get3A_718 : vector<16xf32>
        %swap3A_720 = arith.index_cast %while3A_67 : i32 to index
        %swap3A_721 = arith.constant 736 : index
        %swap3A_722 = tpu.vector_load %arg7[%swap3A_720, %swap3A_721] {strides = array<i32>} : memref<64x768xf32, #tpu.memory_space<vmem>>, vector<1x16xf32>,
        %swap3A_723 = vector.shape_cast %swap3A_722 : vector<1x16xf32> to vector<16xf32>
        %swap3A_724 = vector.shape_cast %add3A_719 : vector<16xf32> to vector<1x16xf32>
        tpu.vector_store %arg7[%swap3A_720, %swap3A_721], %swap3A_724 {strides = array<i32>} : memref<64x768xf32, #tpu.memory_space<vmem>>, vector<1x16xf32>,
        %get3A_725 = arith.index_cast %while3A_67 : i32 to index
        %get3A_726 = arith.constant 752 : index
        %get3A_727 = tpu.vector_load %arg7[%get3A_725, %get3A_726] {strides = array<i32>} : memref<64x768xf32, #tpu.memory_space<vmem>>, vector<1x16xf32>,
        %get3A_728 = vector.shape_cast %get3A_727 : vector<1x16xf32> to vector<16xf32>
        %get3A_729 = arith.index_cast %while3A_67 : i32 to index
        %get3A_730 = arith.constant 752 : index
        %get3A_731 = tpu.vector_load %arg8[%get3A_729, %get3A_730] {strides = array<i32>} : memref<64x768xf32, #tpu.memory_space<vmem>>, vector<1x16xf32>,
        %get3A_732 = vector.shape_cast %get3A_731 : vector<1x16xf32> to vector<16xf32>
        %add3A_733 = arith.addf %get3A_728, %get3A_732 : vector<16xf32>
        %swap3A_734 = arith.index_cast %while3A_67 : i32 to index
        %swap3A_735 = arith.constant 752 : index
        %swap3A_736 = tpu.vector_load %arg7[%swap3A_734, %swap3A_735] {strides = array<i32>} : memref<64x768xf32, #tpu.memory_space<vmem>>, vector<1x16xf32>,
        %swap3A_737 = vector.shape_cast %swap3A_736 : vector<1x16xf32> to vector<16xf32>
        %swap3A_738 = vector.shape_cast %add3A_733 : vector<16xf32> to vector<1x16xf32>
        tpu.vector_store %arg7[%swap3A_734, %swap3A_735], %swap3A_738 {strides = array<i32>} : memref<64x768xf32, #tpu.memory_space<vmem>>, vector<1x16xf32>,
        %while3A_739 = arith.constant 0 : i32
        scf.yield %while3A_739 : i32
      }
      %add3A_58 = arith.addi %mul3A_2, %mul3A_26 : i32
      %dma_start3A = arith.constant 0 : i32
      %dma_start3A_59 = tpu.memref_slice %arg7[%mul3A_26, %dma_start3A] : memref<64x768xf32, #tpu.memory_space<vmem>> -> memref<8x768xf32, #tpu.memory_space<vmem>>
      %dma_start3A_60 = arith.constant 0 : i32
      %dma_start3A_61 = tpu.memref_slice %arg5[%add3A_58, %dma_start3A_60] : memref<2048x768xf32, #tpu.memory_space<hbm>> -> memref<8x768xf32, #tpu.memory_space<hbm>>
      %dma_start3A_62 = arith.constant 0 : i32
      %dma_start3A_63 = tpu.memref_slice %arg5[%add3A_58, %dma_start3A_62] : memref<2048x768xf32, #tpu.memory_space<hbm>> -> memref<8x768xf32, #tpu.memory_space<hbm>>
      %dma_start3A_64 = arith.constant 0 : i32
      %dma_start3A_65 = tpu.memref_slice %arg7[%mul3A_26, %dma_start3A_64] : memref<64x768xf32, #tpu.memory_space<vmem>> -> memref<8x768xf32, #tpu.memory_space<vmem>>
      tpu.enqueue_dma source(%dma_start3A_65 : memref<8x768xf32, #tpu.memory_space<vmem>>) target(%dma_start3A_63 : memref<8x768xf32, #tpu.memory_space<hbm>>) target_semaphore(%arg11 : memref<!tpu.dma_semaphore, #tpu.memory_space<semaphore_mem>>)
      %scan3A_66 = arith.constant 0 : i32
      scf.yield %scan3A_66 : i32
    }
    %scan3A_15 = arith.constant 8 : i32
    %scan3A_16 = arith.constant 0 : i32
    %scan3A_17 = arith.constant 0 : i32
    %scan3A_18 = arith.constant 8 : i32
    %scan3A_19 = arith.addi %scan3A_17, %scan3A_18 : i32
    %scan3A_20 = arith.constant 1 : i32
    %scan3A_21 = scf.for %scan3A_23 = %scan3A_17 to %scan3A_19 step %scan3A_20 iter_args(%scan3A_24 = %scan3A_16) -> (i32)  : i32 {
      %mul3A_25 = arith.constant 8 : i32
      %mul3A_26 = arith.muli %scan3A_23, %mul3A_25 : i32
      %add3A_27 = arith.addi %mul3A_2, %mul3A_26 : i32
      %dma_wait3A = arith.constant 0 : i32
      %dma_wait3A_28 = tpu.memref_slice %arg7[%mul3A_26, %dma_wait3A] : memref<64x768xf32, #tpu.memory_space<vmem>> -> memref<8x768xf32, #tpu.memory_space<vmem>>
      %dma_wait3A_29 = arith.constant 0 : i32
      %dma_wait3A_30 = tpu.memref_slice %arg5[%add3A_27, %dma_wait3A_29] : memref<2048x768xf32, #tpu.memory_space<hbm>> -> memref<8x768xf32, #tpu.memory_space<hbm>>
      %dma_wait3A_31 = arith.constant 0 : i32
      %dma_wait3A_32 = tpu.memref_slice %arg5[%add3A_27, %dma_wait3A_31] : memref<2048x768xf32, #tpu.memory_space<hbm>> -> memref<8x768xf32, #tpu.memory_space<hbm>>
      %dma_wait3A_33 = arith.constant 0 : i32
      %dma_wait3A_34 = tpu.memref_slice %arg7[%mul3A_26, %dma_wait3A_33] : memref<64x768xf32, #tpu.memory_space<vmem>> -> memref<8x768xf32, #tpu.memory_space<vmem>>
      tpu.wait_dma2 semaphore(%arg11 : memref<!tpu.dma_semaphore, #tpu.memory_space<semaphore_mem>>) src(%dma_wait3A_34 : memref<8x768xf32, #tpu.memory_space<vmem>>) dst(%dma_wait3A_32 : memref<8x768xf32, #tpu.memory_space<hbm>>)
      %scan3A_35 = arith.constant 0 : i32
      scf.yield %scan3A_35 : i32
    }
    %scan3A_22 = arith.constant 8 : i32
    return
  }
}

</mosaic_0001>

<sc_bundles>
// kernel: kernel.3.cloned.1.call-start
scs
__scs_entry_jumppad:
0x0: {  	(pc) =	sbr.rel $0x88, $3  }
0x1: {  	(tag) =	ssettag $0x0;
	lr =	simm.s32 $0x1  }
0x2: {  	[smem:$0x3F9E] =	sst lr;
	_ =	strace $0xD0000000  }
0x3: {  	_ = 	snop  }
0x4: {  	_ = 	snop  }
0x5: {  	_ = 	snop  }
0x6: {  	_ = 	snop  }
0x7: {  	_ = 	snop  }
__scs_overlays_trampoline_lowered:
0x8: {  	[smem:$0x3FAD] =	sst s0  }
0x9: {  	[smem:$0x3FAE] =	sst s1  }
0xa: {  	[smem:$0x3FAF] =	sst s2  }
0xb: {  	[smem:$0x3FB0] =	sst s3  }
0xc: {  	[smem:$0x3FB1] =	sst s4  }
0xd: {  	[smem:$0x3FB2] =	sst s5  }
0xe: {  	[smem:$0x3FB3] =	sst s6  }
0xf: {  	[smem:$0x3FB4] =	sst s7  }
0x10: {  	[smem:$0x3FB5] =	sst s8  }
0x11: {  	[smem:$0x3FB6] =	sst s9;
	s0 =	simm.s32 @!p0 $0x0  }
0x12: {  	s1 =	sld [smem:$0x3F9C];
	s0 =	simm.s32 @p0 $0x1  }
0x13: {  	[smem:$0x3FB7] =	sst s0;
	s0 =	simm.s32 @!p1 $0x0  }
0x14: {  	s2 =	sld [smem:$0x3F9B];
	s0 =	simm.s32 @p1 $0x1  }
0x15: {  	[smem:$0x3FB8] =	sst s0;
	s0 =	simm.s32 @!p2 $0x0  }
0x16: {  	s3 =	sld [smem:$0x3FDB];
	s0 =	simm.s32 @p2 $0x1  }
0x17: {  	s4 =	simm.s32 $0x1BF5;
	[smem:$0x3FBA] =	sst s0  }
0x18: {  	s0 =	sld [smem:$0x3F9D];
	_ =	swait.ge [sflag:s4], $0x0  }
0x19: {  	s7 =	sld [smem:$0x3F9E]  }
0x1a: {  	s8 =	sadd.s32 $0xFFFFE003, lr  }
0x1b: {  	s9 =	sadd.s32 $0xFFFFFEF7, lr;
	s5 =	simm.s32 $0xFFFFFFFF;
	p2 =	slt.u32 s8, $0xFFFFF086  }
0x1c: {  	p1 =	slt.u32 s9, $0xF7A;
	s5 =	simm.s32 @!p2 $0x0  }
0x1d: {  	s5 =	simm.s32 @p1 $0x1;
	p0 =	seq.s32 s7, s2  }
0x1e: {  	s7 =	smul.u32 @!p0 $0xF7A, s2;
	p2 =	seq.s32 @!p0 s5, $0x0  }
0x1f: {  	s9 =	smul.u32 $0xF7A, s1;
	s8 =	simm.s32 @!p0 $0x1BF5;
	p2 =	por !p2, p0  }
0x20: {  	[sflag:s8] =	ssyncset.s32 @!p0 $0xFFFFF086;
	s6 =	sadd.s32 @!p0 s3, s7;
	s7 =	simm.s32 @!p0 $0x108  }
0x21: {  	s3 =	sadd.s32 s3, s9;
	s6 =	sadd.s32 @!p0 $0x88, s6;
	s7 =	simm.s32 @p2 $0x1082  }
0x22: {  	[simem:s7], [sflag:s8] =	dma.local @!p0 [hbm:s6], $0xF7A  }
0x23: {  	s9 =	sor.u32 $0xD0000000, s2;
	s6 =	simm.s32 $0x108;
	_ =	swait.ge @!p0 [sflag:s8], $0x0  }
0x24: {  	s3 =	sadd.s32 $0x88, s3;
	s6 =	simm.s32 @!p1 $0x1082;
	[sflag:s4] =	ssyncset.s32 $0xFFFFF086  }
0x25: {  	[simem:s6], [sflag:s4] =	dma.local [hbm:s3], $0xF7A  }
0x26: {  	[smem:$0x3F9E] =	sst s1;
	(tag) =	ssettag s2;
	_ =	strace s9  }
0x27: {  	s1 =	sld [smem:$0x3FAE]  }
0x28: {  	s2 =	sld [smem:$0x3FAF]  }
0x29: {  	s4 =	sld [smem:$0x3FB1]  }
0x2a: {  	p0 =	seq.s32 s5, $0x0;
	s5 =	sld [smem:$0x3FB2]  }
0x2b: {  	s6 =	sld [smem:$0x3FB3]  }
0x2c: {  	s7 =	sld [smem:$0x3FB4]  }
0x2d: {  	s3 =	simm.s32 $0x108;
	s8 =	sld [smem:$0x3FB5]  }
0x2e: {  	s3 =	simm.s32 @!p0 $0x1082;
	s9 =	sld [smem:$0x3FB6]  }
0x2f: {  	lr =	sadd.s32 s0, s3;
	s0 =	sld [smem:$0x3FAD]  }
0x30: {  	s3 =	sld [smem:$0x3FB0]  }
0x31: {  	[smem:$0x3FB9] =	sst s10  }
0x32: {  	s10 =	sld [smem:$0x3FB7];
	_ =	sdelay $0x3  }
0x33: {  	p0 =	seq.s32 s10, $0x1;
	s10 =	sld [smem:$0x3FB9];
	_ =	sdelay $0x3  }
0x34: {  	[smem:$0x3FB9] =	sst s10  }
0x35: {  	s10 =	sld [smem:$0x3FB8];
	_ =	sdelay $0x3  }
0x36: {  	p1 =	seq.s32 s10, $0x1;
	s10 =	sld [smem:$0x3FB9];
	_ =	sdelay $0x3  }
0x37: {  	[smem:$0x3FB9] =	sst s10  }
0x38: {  	s10 =	sld [smem:$0x3FBA]  }
0x39: {  	_ = 	snop;
	(pc) =	sbr.ind lr, $3  }
0x3a: {  	_ = 	snop  }
0x3b: {  	_ = 	snop  }
0x3c: {  	p2 =	seq.s32 s10, $0x1;
	s10 =	sld [smem:$0x3FB9]  }
0x3d: {  	_ =	shalt  }
0x3e: {  	_ =	shalt  }
0x3f: {  	_ =	shalt  }
0x40: {  	_ =	shalt  }
0x41: {  	_ =	shalt  }
0x42: {  	_ =	shalt  }
0x43: {  	_ =	shalt  }
0x44: {  	_ =	shalt  }
0x45: {  	_ =	shalt  }
0x46: {  	_ =	shalt  }
0x47: {  	_ =	shalt  }
0x48: {  	_ =	shalt  }
0x49: {  	_ =	shalt  }
0x4a: {  	_ =	shalt  }
0x4b: {  	_ =	shalt  }
0x4c: {  	_ =	shalt  }
0x4d: {  	_ =	shalt  }
0x4e: {  	_ =	shalt  }
0x4f: {  	_ =	shalt  }
0x50: {  	_ =	shalt  }
0x51: {  	_ =	shalt  }
0x52: {  	_ =	shalt  }
0x53: {  	_ =	shalt  }
0x54: {  	_ =	shalt  }
0x55: {  	_ =	shalt  }
0x56: {  	_ =	shalt  }
0x57: {  	_ =	shalt  }
0x58: {  	_ =	shalt  }
0x59: {  	_ =	shalt  }
0x5a: {  	_ =	shalt  }
0x5b: {  	_ =	shalt  }
0x5c: {  	_ =	shalt  }
0x5d: {  	_ =	shalt  }
0x5e: {  	_ =	shalt  }
0x5f: {  	_ =	shalt  }
0x60: {  	_ =	shalt  }
0x61: {  	_ =	shalt  }
0x62: {  	_ =	shalt  }
0x63: {  	_ =	shalt  }
0x64: {  	_ =	shalt  }
0x65: {  	_ =	shalt  }
0x66: {  	_ =	shalt  }
0x67: {  	_ =	shalt  }
0x68: {  	_ =	shalt  }
0x69: {  	_ =	shalt  }
0x6a: {  	_ =	shalt  }
0x6b: {  	_ =	shalt  }
0x6c: {  	_ =	shalt  }
0x6d: {  	_ =	shalt  }
0x6e: {  	_ =	shalt  }
0x6f: {  	_ =	shalt  }
0x70: {  	_ =	shalt  }
0x71: {  	_ =	shalt  }
0x72: {  	_ =	shalt  }
0x73: {  	_ =	shalt  }
0x74: {  	_ =	shalt  }
0x75: {  	_ =	shalt  }
0x76: {  	_ =	shalt  }
0x77: {  	_ =	shalt  }
0x78: {  	_ =	shalt  }
0x79: {  	_ =	shalt  }
0x7a: {  	_ =	shalt  }
0x7b: {  	_ =	shalt  }
0x7c: {  	_ =	shalt  }
0x7d: {  	_ =	shalt  }
0x7e: {  	_ =	shalt  }
0x7f: {  	_ =	shalt  }
0x80: {  	_ =	shalt  }
0x81: {  	_ =	shalt  }
0x82: {  	_ =	shalt  }
0x83: {  	_ =	shalt  }
0x84: {  	_ =	shalt  }
0x85: {  	_ =	shalt  }
0x86: {  	_ =	shalt  }
0x87: {  	_ =	shalt  }
.Lfunc_end0:
.L_simem_size_0:
called_computation_lowered:
.L_overlay_start_0:
0x88: {  	s2 =	sld [smem:$0x3FD9]  }
0x89: {  	s3 =	sld [smem:$0x3FFE];
	_ =	sdelay $0x1  }
0x8a: {  	s1 =	srdreg.scid  }
0x8b: {  	s0 =	sand.u32 $0x1, s1  }
0x8c: {  	s18 =	sshll.u32 s0, $0xA;
	s2 =	sadd.s32 s3, s2  }
0x8d: {  	s2 =	sadd.s32 s2, s18  }
0x8e: {  	[smem:$0x3FC5] =	sst s2  }
0x8f: {  	_ = 	snop  }
0x90: {  	s2 =	sld [smem:$0x3FC9]  }
0x91: {  	s19 =	sld [smem:$0x3FC8]  }
0x92: {  	s4 =	sld [smem:$0x3FC7]  }
0x93: {  	s5 =	sld [smem:$0x3FD0];
	(tm) =	ssettm $0x1  }
0x94: {  	s6 =	sld [smem:$0x3FFB];
	_ =	sdelay $0x3  }
0x95: {  	_ =	strace s6  }
0x96: {  	s6 =	sld [smem:$0x3FFC];
	_ =	sdelay $0x3  }
0x97: {  	_ =	strace s6  }
0x98: {  	s6 =	sld [smem:$0x3FFD];
	_ =	sdelay $0x3  }
0x99: {  	_ =	strace s6  }
0x9a: {  	_ =	strace $0x8FFFFFFF  }
0x9b: {  	s20 =	sld [smem:$0x3FDB];
	_ =	sdelay $0x1  }
0x9c: {  	s7 =	simm.s32 $_scs_section_size  }
0x9d: {  	s8 =	simm.s32 $_size__tile_overlayer_lowered;
	s9 =	simm.s32 $_tile_overlayer_lowered  }
0x9e: {  	s23 =	simm.s32 $0x1BFF;
	s22 =	sshll.u32 s9, $0x1;
	s6 =	sadd.s32 s7, s20  }
0x9f: {  	s10 =	simm.s32 $0x0;
	s21 =	sshll.u32 s8, $0x1;
	s8 =	sadd.s32 s22, s6  }
0xa0: {  	[timem:s10], [sflag:s23] =	dma.local [hbm:s8], s21  }
0xa1: {  	_ =	swait.ge [sflag:s23], s21  }
0xa2: {  	s7 =	ssub.s32 $0x0, s21;
	[sflag:s23] =	ssyncset.done $0x0  }
0xa3: {  	[sflag:s23] =	ssyncadd.s32 s7;
	_ =	sdelay $0x1  }
0xa4: {  	s24 =	simm.s32 $0x1B8B  }
0xa5: {  	_ =	swait.ge [sflag:s24], $0x1  }
0xa6: {  	[sflag:s24] =	ssyncset.done $0x0  }
0xa7: {  	s25 =	simm.s32 $0x1B8E;
	[sflag:s24] =	ssyncadd.s32 $0xFFFFFFFF  }
0xa8: {  	s26 =	simm.s32 $execute0_lowered;
	[smem:$0x3FD2] =	sst s25  }
0xa9: {  	s7 =	sshll.u32 s26, $0x1;
	_ =	strace $0x80000046;
	[dreg:$0x1] =	wrdreg $0xFFFFFFFF  }
0xaa: {  	s28 =	simm.s32 $_size_execute0_lowered;
	s6 =	sadd.s32 s6, s7;
	[dreg:$0x0] =	wrdreg $0x0  }
0xab: {  	s7 =	sshll.u32 s28, $0x1;
	[dreg:$0x2] =	wrdreg s6  }
0xac: {  	[dreg:$0x3] =	wrdreg s7  }
0xad: {  	[dreg:$0x4] =	wrdreg $0xC0  }
0xae: {  	_ =	task [dreg:s10], $0x5FFFF  }
0xaf: {  	[dreg:$0x1] =	wrdreg $0xFFFFFFFF  }
0xb0: {  	[dreg:$0x0] =	wrdreg $0x60  }
0xb1: {  	[dreg:$0x2] =	wrdreg s19  }
0xb2: {  	[dreg:$0x3] =	wrdreg s2  }
0xb3: {  	[dreg:$0x4] =	wrdreg s4  }
0xb4: {  	[dreg:$0x5] =	wrdreg s5  }
0xb5: {  	[dreg:$0x6] =	wrdreg $0x9  }
0xb6: {  	_ =	task.clear_ibuf [dreg:s10], $0x7FFFF;
	_ =	strace $0x90000046  }
0xb7: {  	s29 =	simm.s32 $0x9;
	_ =	strace $0x80000048  }
0xb8: {  	_ =	swait.ge [sflag:s29], $0x1  }
0xb9: {  	[sflag:s29] =	ssyncadd.s32 $0xFFFFFFFF  }
0xba: {  	_ =	strace $0x90000048  }
0xbb: {  	_ =	sfence  }
0xbc: {  	s30 =	sld [smem:$0x0];
	_ =	sdelay $0x2  }
0xbd: {  	s31 =	sshll.u32 s1, $0xD;
	s1 =	sshrl.u32 s1, $0x2  }
0xbe: {  	s3 =	sand.u32 $0x4000, s31;
	s1 =	sadd.s32 s1, s30  }
0xbf: {  	s0 =	sor.u32 s3, s0;
	s1 =	sshll.u32 s1, $0x11  }
0xc0: {  	s0 =	sor.u32 s1, s0  }
0xc1: {  	s0 =	sadd.s32 $0x8F2B, s0  }
0xc2: {  	[sflag:s0] =	ssyncadd.remote.s32 $0x1  }
0xc3: {  	_ =	sfence.sel $0xFFFF  }
0xc4: {  	[dreg:$0x0] =	wrdreg $0xFFFFFFFF;
	(pc) =	sbr.abs _section_cstart, $3  }
0xc5: {  	[dreg:$0x1] =	wrdreg $0xFFFFFFFF  }
0xc6: {  	_ =	task.clear_ibuf [dreg:s10], $0x2FFFF;
	_ =	strace $0x9FFFFFFF  }
0xc7: {  	(tm) =	ssettm $0x7FFFFFFF  }
tec
execute0_lowered:
.L_overlay_start_1:
0x0: {  	(tag) =	ssettag $0x1  }
0x1: {  	s1 =	rddreg [dreg:$0x0]  }
0x2: {  	s6 =	rddreg [dreg:$0x1]  }
0x3: {  	s10 =	rddreg [dreg:$0x2]  }
0x4: {  	s2 =	rddreg [dreg:$0x3]  }
0x5: {  	s0 =	rddreg [dreg:$0x4];
	s3 =	simm.s32 $0x0  }
0x6: {  	s4 =	srdreg.scid;
	s14 =	simm.s32 $0x3;
	s15 =	simm.s32 $0x0  }
0x7: {  	[smem:$0x7FF] =	sst s3;
	s8 =	sand.u32 $0x1, s4;
	s4 =	stileid.u32  }
0x8: {  	_ =	strace $0x80000047;
	s5 =	ssub.s32 $0x2, s8;
	s9 =	sshll.u32 s4, $0x4  }
0x9: {  	s11 =	sshll.u32 s8, $0x3;
	s31 =	smul.u32 $0x3000, s4;
	s7 =	sshrl.u32 s5, $0x1  }
0xa: {  	s13 =	smul.u32 $0x1800, s8;
	s8 =	sadd.s32 $0x200, s1;
	s12 =	ssub.s32 s5, s7  }
0xb: {  	v0 =	vlaneseq.u32;
	s5 =	sor.u32 s11, s9;
	s7 =	sadd.s32 $0x100, s1;
	s10 =	sadd.s32 s31, s10  }
0xc: {  	v1 =	vshrl.u32 v0, $0x3;
	s11 =	simm.s32 $0x4;
	s6 =	sadd.s32 s6, s5;
	s9 =	smax.u32 s12, $0x1  }
0xd: {  	vm0 =	vmmov $0xffff;
	v0 =	vand.u32 $0x7, v0;
	v1 =	vmul.u32 $0x8, v1;
	s10 =	sadd.s32 s13, s10;
	s12 =	simm.s32 $0x1;
	s13 =	simm.s32 $0x2  }
.LBB2_1:
0xe: {  	[tilespmem:s3], [sflag:$0x4] =	stream.linear.gather [hbm4b:s6+s3], $0x40, $0x38;
	[tilespmem:$0x18080] =	vst v63  }
0xf: {  	_ =	swait.ge [sflag:s11], $0x40  }
0x10: {  	[sflag:s11] =	ssyncset.done $0x0  }
0x11: {  	[sflag:s11] =	ssyncadd.s32 $0xFFFFFFC0  }
0x12: {  	v2 =	vld.msk [tilespmem:s3+$0x0], $0xff;
	_ =	sdelay $0x4  }
0x13: {  	v3 =	vshrl.u32 v2, $0x3  }
0x14: {  	v3 =	vmul.u32 $0x30, v3  }
0x15: {  	v2 =	vand.u32 $0x7, v2  }
0x16: {  	v2 =	vor.u32 v2, v3  }
0x17: {  	v2 =	vperm.xlane v2, v0;
	_ =	sdelay $0x1  }
0x18: {  	v2 =	vadd.s32 v1, v2;
	_ =	sdelay $0x3  }
0x19: {  	s16 =	simm.s32 $0x80;
	s30 =	simm.s32 $0x880;
	s31 =	simm.s32 $0x1080  }
0x1a: {  	[tilespmem:s16], [sflag:$0x1] =	stream.indirect_vreg.gather [hbm4b:s1+s3], $0x80, v2, vm0, $0xb8;
	[tilespmem:$0x18080] =	vst v63  }
0x1b: {  	s17 =	simm.s32 $0x6000;
	s21 =	simm.s32 $0xC080;
	s18 =	simm.s32 $0x8  }
0x1c: {  	[tilespmem:s30], [sflag:$0x1] =	stream.indirect_vreg.gather [hbm4b:s7+s3], $0x80, v2, vm0, $0xb8;
	[tilespmem:$0x18080] =	vst v63  }
0x1d: {  	s19 =	sadd.s32 $0x300, s10;
	s20 =	smov.u32 s10;
	s16 =	simm.s32 $0x0  }
0x1e: {  	[tilespmem:s31], [sflag:$0x1] =	stream.indirect_vreg.gather [hbm4b:s8+s3], $0x80, v2, vm0, $0xb8;
	[tilespmem:$0x18080] =	vst v63  }
.LBB2_2:
0x1f: {  	[tilespmem:s21], [sflag:$0x2] =	stream.linear.gather [hbm4b:s20+s16], $0x1800, $0x38;
	[tilespmem:$0x18080] =	vst v63  }
0x20: {  	p0 =	sne.s32 s17, $0x2A000;
	s16 =	smov.u32 s17;
	s17 =	sadd.s32 $0x6000, s17;
	v2 =	vld.msk [tilespmem:s18+$0x0], $0xff  }
0x21: {  	s20 =	smov.u32 s19;
	_ =	sdelay $0x3  }
0x22: {  	v3 =	vshrl.u32 v2, $0x3  }
0x23: {  	v3 =	vmul.u32 $0x30, v3  }
0x24: {  	v2 =	vand.u32 $0x7, v2  }
0x25: {  	v2 =	vor.u32 v2, v3  }
0x26: {  	v2 =	vperm.xlane v2, v0;
	_ =	sdelay $0x1  }
0x27: {  	v2 =	vadd.s32 v1, v2;
	_ =	sdelay $0x2  }
0x28: {  	s21 =	sshra.s32 s16, $0x2  }
0x29: {  	s16 =	simm.s32 $0x0;
	s22 =	sadd.s32 $0x80, s21  }
0x2a: {  	[tilespmem:s22], [sflag:$0x1] =	stream.indirect_vreg.gather [hbm4b:s1+s16], $0x80, v2, vm0, $0xb8;
	[tilespmem:$0x18080] =	vst v63  }
.Ltmp0:
0x2b: {  	s22 =	sadd.s32 $0x880, s21;
	(pc) =	sbr.rel @p0 .LBB2_2-.Ltmp0, $4  }
0x2c: {  	[tilespmem:s22], [sflag:$0x1] =	stream.indirect_vreg.gather [hbm4b:s7+s16], $0x80, v2, vm0, $0xb8;
	[tilespmem:$0x18080] =	vst v63  }
0x2d: {  	s22 =	sadd.s32 $0x1080, s21  }
0x2e: {  	[tilespmem:s22], [sflag:$0x1] =	stream.indirect_vreg.gather [hbm4b:s8+s16], $0x80, v2, vm0, $0xb8;
	[tilespmem:$0x18080] =	vst v63  }
0x2f: {  	s19 =	sadd.s32 $0x300, s19;
	s18 =	sadd.s32 $0x8, s18;
	s21 =	sadd.s32 $0xC080, s21  }
0x30: {  	[tilespmem:s21], [sflag:$0x2] =	stream.linear.gather [hbm4b:s20+s16], $0x1800, $0x38;
	[tilespmem:$0x18080] =	vst v63  }
.LBB2_4:
0x31: {  	s18 =	sshll.u32 s16, $0x3;
	_ =	swait.ge [sflag:s12], $0x1800  }
0x32: {  	[sflag:s12] =	ssyncset.done $0x0;
	s17 =	sshrl.u32 s18, $0x3  }
0x33: {  	[sflag:s12] =	ssyncadd.s32 $0xFFFFE800;
	s17 =	smul.u32 $0x6000, s17  }
0x34: {  	_ =	swait.ge [sflag:s13], $0x1800  }
0x35: {  	[sflag:s13] =	ssyncset.done $0x0;
	s17 =	sshra.s32 s17, $0x2  }
0x36: {  	[sflag:s13] =	ssyncadd.s32 $0xFFFFE800;
	s17 =	sadd.s32 $0x0, s17  }
0x37: {  	v12 =	vld [tilespmem:s17+$0xC080]  }
0x38: {  	v13 =	vld [tilespmem:s17+$0xC090]  }
0x39: {  	v14 =	vld [tilespmem:s17+$0xC0A0]  }
0x3a: {  	v15 =	vld [tilespmem:s17+$0xC0B0]  }
0x3b: {  	v16 =	vld [tilespmem:s17+$0xC0C0]  }
0x3c: {  	v17 =	vld [tilespmem:s17+$0xC0D0]  }
0x3d: {  	v18 =	vld [tilespmem:s17+$0xC0E0]  }
0x3e: {  	v19 =	vld [tilespmem:s17+$0xC0F0]  }
0x3f: {  	v20 =	vld [tilespmem:s17+$0xC480]  }
0x40: {  	v21 =	vld [tilespmem:s17+$0xC490]  }
0x41: {  	v22 =	vld [tilespmem:s17+$0xC4A0]  }
0x42: {  	v23 =	vld [tilespmem:s17+$0xC4B0]  }
0x43: {  	v24 =	vld [tilespmem:s17+$0xC4C0]  }
0x44: {  	v25 =	vld [tilespmem:s17+$0xC4D0]  }
0x45: {  	v26 =	vld [tilespmem:s17+$0xC4E0]  }
0x46: {  	v27 =	vld [tilespmem:s17+$0xC4F0]  }
0x47: {  	v28 =	vld [tilespmem:s17+$0xC880]  }
0x48: {  	v29 =	vld [tilespmem:s17+$0xC890]  }
0x49: {  	v30 =	vld [tilespmem:s17+$0xC8A0]  }
0x4a: {  	v31 =	vld [tilespmem:s17+$0xC8B0]  }
0x4b: {  	v32 =	vld [tilespmem:s17+$0xC8C0]  }
0x4c: {  	v33 =	vld [tilespmem:s17+$0xC8D0]  }
0x4d: {  	v34 =	vld [tilespmem:s17+$0xC8E0]  }
0x4e: {  	v35 =	vld [tilespmem:s17+$0xC8F0]  }
0x4f: {  	v36 =	vld [tilespmem:s17+$0xCC80]  }
0x50: {  	v37 =	vld [tilespmem:s17+$0xCC90]  }
0x51: {  	v38 =	vld [tilespmem:s17+$0xCCA0]  }
0x52: {  	v39 =	vld [tilespmem:s17+$0xCCB0]  }
0x53: {  	v40 =	vld [tilespmem:s17+$0xCCC0]  }
0x54: {  	v41 =	vld [tilespmem:s17+$0xCCD0]  }
0x55: {  	v42 =	vld [tilespmem:s17+$0xCCE0]  }
0x56: {  	v43 =	vld [tilespmem:s17+$0xCCF0]  }
0x57: {  	v44 =	vld [tilespmem:s17+$0xD080]  }
0x58: {  	v45 =	vld [tilespmem:s17+$0xD090]  }
0x59: {  	v46 =	vld [tilespmem:s17+$0xD0A0]  }
0x5a: {  	v47 =	vld [tilespmem:s17+$0xD0B0]  }
0x5b: {  	v48 =	vld [tilespmem:s17+$0xD0C0]  }
0x5c: {  	v49 =	vld [tilespmem:s17+$0xD0D0]  }
0x5d: {  	v11 =	vld [tilespmem:s17+$0xD0E0]  }
0x5e: {  	v10 =	vld [tilespmem:s17+$0xD0F0]  }
0x5f: {  	v9 =	vld [tilespmem:s17+$0xD480]  }
0x60: {  	v8 =	vld [tilespmem:s17+$0xD490]  }
0x61: {  	v7 =	vld [tilespmem:s17+$0xD4A0]  }
0x62: {  	v6 =	vld [tilespmem:s17+$0xD4B0]  }
0x63: {  	v5 =	vld [tilespmem:s17+$0xD4C0]  }
0x64: {  	v4 =	vld [tilespmem:s17+$0xD4D0]  }
0x65: {  	v3 =	vld [tilespmem:s17+$0xD4E0]  }
0x66: {  	v50 =	vld [tilespmem:s17+$0x80]  }
0x67: {  	v2 =	vld [tilespmem:s17+$0xD4F0]  }
0x68: {  	v51 =	vld [tilespmem:s17+$0x90]  }
0x69: {  	v52 =	vld [tilespmem:s17+$0xA0]  }
0x6a: {  	v53 =	vld [tilespmem:s17+$0xB0]  }
0x6b: {  	v63 =	vld [tilespmem:s17+$0xC0]  }
0x6c: {  	v62 =	vld [tilespmem:s17+$0xD0];
	v12 =	vadd.f32 v12, v50  }
0x6d: {  	v54 =	vld [tilespmem:s17+$0xE0];
	v13 =	vadd.f32 v13, v51  }
0x6e: {  	v14 =	vadd.f32 v14, v52;
	[tilespmem:s17+$0x80] =	vst v12;
	v12 =	vld [tilespmem:s17+$0xF0]  }
0x6f: {  	v15 =	vadd.f32 v15, v53;
	[tilespmem:s17+$0x90] =	vst v13;
	v13 =	vld [tilespmem:s17+$0x480]  }
0x70: {  	v16 =	vadd.f32 v16, v63;
	[tilespmem:s17+$0xA0] =	vst v14;
	v14 =	vld [tilespmem:s17+$0x490]  }
0x71: {  	v17 =	vadd.f32 v17, v62;
	[tilespmem:s17+$0xB0] =	vst v15;
	v15 =	vld [tilespmem:s17+$0x4A0]  }
0x72: {  	v18 =	vadd.f32 v18, v54;
	[tilespmem:s17+$0xC0] =	vst v16;
	v16 =	vld [tilespmem:s17+$0x4B0]  }
0x73: {  	[tilespmem:s17+$0xD0] =	vst v17;
	v17 =	vld [tilespmem:s17+$0x4C0];
	v12 =	vadd.f32 v19, v12  }
0x74: {  	[tilespmem:s17+$0xE0] =	vst v18;
	v18 =	vld [tilespmem:s17+$0x4D0];
	v13 =	vadd.f32 v20, v13  }
0x75: {  	v14 =	vadd.f32 v21, v14;
	[tilespmem:s17+$0xF0] =	vst v12;
	v12 =	vld [tilespmem:s17+$0x4E0]  }
0x76: {  	v15 =	vadd.f32 v22, v15;
	[tilespmem:s17+$0x480] =	vst v13;
	v13 =	vld [tilespmem:s17+$0x4F0]  }
0x77: {  	v16 =	vadd.f32 v23, v16;
	[tilespmem:s17+$0x490] =	vst v14;
	v14 =	vld [tilespmem:s17+$0x880]  }
0x78: {  	v17 =	vadd.f32 v24, v17;
	[tilespmem:s17+$0x4A0] =	vst v15;
	v15 =	vld [tilespmem:s17+$0x890]  }
0x79: {  	v18 =	vadd.f32 v25, v18;
	[tilespmem:s17+$0x4B0] =	vst v16;
	v16 =	vld [tilespmem:s17+$0x8A0]  }
0x7a: {  	[tilespmem:s17+$0x4C0] =	vst v17;
	v17 =	vld [tilespmem:s17+$0x8B0];
	v12 =	vadd.f32 v26, v12  }
0x7b: {  	[tilespmem:s17+$0x4D0] =	vst v18;
	v18 =	vld [tilespmem:s17+$0x8C0];
	v13 =	vadd.f32 v27, v13  }
0x7c: {  	v14 =	vadd.f32 v28, v14;
	[tilespmem:s17+$0x4E0] =	vst v12;
	v12 =	vld [tilespmem:s17+$0x8D0]  }
0x7d: {  	v15 =	vadd.f32 v29, v15;
	[tilespmem:s17+$0x4F0] =	vst v13;
	v13 =	vld [tilespmem:s17+$0x8E0]  }
0x7e: {  	v16 =	vadd.f32 v30, v16;
	[tilespmem:s17+$0x880] =	vst v14;
	v14 =	vld [tilespmem:s17+$0x8F0]  }
0x7f: {  	v17 =	vadd.f32 v31, v17;
	[tilespmem:s17+$0x890] =	vst v15;
	v15 =	vld [tilespmem:s17+$0xC80]  }
0x80: {  	v18 =	vadd.f32 v32, v18;
	[tilespmem:s17+$0x8A0] =	vst v16;
	v16 =	vld [tilespmem:s17+$0xC90]  }
0x81: {  	[tilespmem:s17+$0x8B0] =	vst v17;
	v17 =	vld [tilespmem:s17+$0xCA0];
	v12 =	vadd.f32 v33, v12  }
0x82: {  	[tilespmem:s17+$0x8C0] =	vst v18;
	v18 =	vld [tilespmem:s17+$0xCB0];
	v13 =	vadd.f32 v34, v13  }
0x83: {  	v14 =	vadd.f32 v35, v14;
	[tilespmem:s17+$0x8D0] =	vst v12;
	v12 =	vld [tilespmem:s17+$0xCC0]  }
0x84: {  	v15 =	vadd.f32 v36, v15;
	[tilespmem:s17+$0x8E0] =	vst v13;
	v13 =	vld [tilespmem:s17+$0xCD0]  }
0x85: {  	v16 =	vadd.f32 v37, v16;
	[tilespmem:s17+$0x8F0] =	vst v14;
	v14 =	vld [tilespmem:s17+$0xCE0]  }
0x86: {  	v17 =	vadd.f32 v38, v17;
	[tilespmem:s17+$0xC80] =	vst v15;
	v15 =	vld [tilespmem:s17+$0xCF0]  }
0x87: {  	v18 =	vadd.f32 v39, v18;
	[tilespmem:s17+$0xC90] =	vst v16;
	v16 =	vld [tilespmem:s17+$0x1080]  }
0x88: {  	[tilespmem:s17+$0xCA0] =	vst v17;
	v17 =	vld [tilespmem:s17+$0x1090];
	v12 =	vadd.f32 v40, v12  }
0x89: {  	[tilespmem:s17+$0xCB0] =	vst v18;
	v18 =	vld [tilespmem:s17+$0x10A0];
	v13 =	vadd.f32 v41, v13  }
0x8a: {  	v14 =	vadd.f32 v42, v14;
	[tilespmem:s17+$0xCC0] =	vst v12;
	v12 =	vld [tilespmem:s17+$0x10B0]  }
0x8b: {  	v19 =	vld [tilespmem:s17+$0x10C0];
	[tilespmem:s17+$0xCD0] =	vst v13;
	v13 =	vadd.f32 v43, v15  }
0x8c: {  	v20 =	vld [tilespmem:s17+$0x10D0];
	[tilespmem:s17+$0xCE0] =	vst v14;
	v14 =	vadd.f32 v44, v16  }
0x8d: {  	v16 =	vld [tilespmem:s17+$0x10E0];
	[tilespmem:s17+$0xCF0] =	vst v13;
	v13 =	vadd.f32 v45, v17  }
0x8e: {  	v15 =	vld [tilespmem:s17+$0x10F0];
	[tilespmem:s17+$0x1080] =	vst v14;
	v17 =	vadd.f32 v46, v18  }
0x8f: {  	v14 =	vld [tilespmem:s17+$0x1480];
	[tilespmem:s17+$0x1090] =	vst v13;
	v12 =	vadd.f32 v47, v12  }
0x90: {  	v18 =	vadd.f32 v48, v19;
	[tilespmem:s17+$0x10A0] =	vst v17;
	v13 =	vld [tilespmem:s17+$0x1490]  }
0x91: {  	s19 =	simm.s32 $0x200;
	s18 =	sadd.s32 $0x1, s18;
	v17 =	vadd.f32 v49, v20;
	[tilespmem:s17+$0x10B0] =	vst v12;
	v12 =	vld [tilespmem:s17+$0x14A0]  }
.LBB2_5:
0x92: {  	s20 =	sshrl.u32 s18, $0x3;
	p0 =	sne.s32 s19, $0xE00;
	[tilespmem:s17+$0x10C0] =	vst v18;
	v11 =	vadd.f32 v11, v16;
	v16 =	vld [tilespmem:s17+$0x14B0]  }
0x93: {  	s20 =	smul.u32 $0x6000, s20;
	[tilespmem:s17+$0x10D0] =	vst v17;
	v10 =	vadd.f32 v10, v15;
	v15 =	vld [tilespmem:s17+$0x14C0]  }
0x94: {  	[tilespmem:s17+$0x10E0] =	vst v11;
	v9 =	vadd.f32 v9, v14;
	v11 =	vld [tilespmem:s17+$0x14D0]  }
0x95: {  	s21 =	sshra.s32 s19, $0x2;
	s20 =	sshra.s32 s20, $0x2;
	[tilespmem:s17+$0x10F0] =	vst v10;
	v8 =	vadd.f32 v8, v13;
	v10 =	vld [tilespmem:s17+$0x14E0]  }
0x96: {  	s20 =	sadd.s32 s21, s20;
	[tilespmem:s17+$0x1480] =	vst v9;
	v7 =	vadd.f32 v7, v12;
	v9 =	vld [tilespmem:s17+$0x14F0]  }
0x97: {  	v38 =	vld [tilespmem:s20+$0xC080];
	[tilespmem:s17+$0x1490] =	vst v8;
	v6 =	vadd.f32 v6, v16  }
0x98: {  	v39 =	vld [tilespmem:s20+$0xC090];
	[tilespmem:s17+$0x14A0] =	vst v7;
	v5 =	vadd.f32 v5, v15  }
0x99: {  	v40 =	vld [tilespmem:s20+$0xC0A0];
	[tilespmem:s17+$0x14B0] =	vst v6;
	v4 =	vadd.f32 v4, v11  }
0x9a: {  	v41 =	vld [tilespmem:s20+$0xC0B0];
	[tilespmem:s17+$0x14C0] =	vst v5;
	v3 =	vadd.f32 v3, v10  }
0x9b: {  	v42 =	vld [tilespmem:s20+$0xC0C0];
	[tilespmem:s17+$0x14D0] =	vst v4;
	v2 =	vadd.f32 v2, v9  }
0x9c: {  	v43 =	vld [tilespmem:s20+$0xC0D0];
	[tilespmem:s17+$0x14E0] =	vst v3  }
0x9d: {  	v44 =	vld [tilespmem:s20+$0xC0E0];
	[tilespmem:s17+$0x14F0] =	vst v2;
	s17 =	smov.u32 s20  }
0x9e: {  	v45 =	vld [tilespmem:s17+$0xC0F0]  }
0x9f: {  	v46 =	vld [tilespmem:s17+$0xC480]  }
0xa0: {  	v47 =	vld [tilespmem:s17+$0xC490]  }
0xa1: {  	v48 =	vld [tilespmem:s17+$0xC4A0]  }
0xa2: {  	v49 =	vld [tilespmem:s17+$0xC4B0]  }
0xa3: {  	v37 =	vld [tilespmem:s17+$0xC4C0]  }
0xa4: {  	v36 =	vld [tilespmem:s17+$0xC4D0]  }
0xa5: {  	v35 =	vld [tilespmem:s17+$0xC4E0]  }
0xa6: {  	v34 =	vld [tilespmem:s17+$0xC4F0]  }
0xa7: {  	v33 =	vld [tilespmem:s17+$0xC880]  }
0xa8: {  	v32 =	vld [tilespmem:s17+$0xC890]  }
0xa9: {  	v31 =	vld [tilespmem:s17+$0xC8A0]  }
0xaa: {  	v30 =	vld [tilespmem:s17+$0xC8B0]  }
0xab: {  	v29 =	vld [tilespmem:s17+$0xC8C0]  }
0xac: {  	v28 =	vld [tilespmem:s17+$0xC8D0]  }
0xad: {  	v27 =	vld [tilespmem:s17+$0xC8E0]  }
0xae: {  	v26 =	vld [tilespmem:s17+$0xC8F0]  }
0xaf: {  	v25 =	vld [tilespmem:s17+$0xCC80]  }
0xb0: {  	v24 =	vld [tilespmem:s17+$0xCC90]  }
0xb1: {  	v23 =	vld [tilespmem:s17+$0xCCA0]  }
0xb2: {  	v22 =	vld [tilespmem:s17+$0xCCB0]  }
0xb3: {  	v21 =	vld [tilespmem:s17+$0xCCC0]  }
0xb4: {  	v20 =	vld [tilespmem:s17+$0xCCD0]  }
0xb5: {  	v19 =	vld [tilespmem:s17+$0xCCE0]  }
0xb6: {  	v18 =	vld [tilespmem:s17+$0xCCF0]  }
0xb7: {  	v17 =	vld [tilespmem:s17+$0xD080]  }
0xb8: {  	v16 =	vld [tilespmem:s17+$0xD090]  }
0xb9: {  	v15 =	vld [tilespmem:s17+$0xD0A0]  }
0xba: {  	v14 =	vld [tilespmem:s17+$0xD0B0]  }
0xbb: {  	v13 =	vld [tilespmem:s17+$0xD0C0]  }
0xbc: {  	v12 =	vld [tilespmem:s17+$0xD0D0]  }
0xbd: {  	v11 =	vld [tilespmem:s17+$0xD0E0]  }
0xbe: {  	v10 =	vld [tilespmem:s17+$0xD0F0]  }
0xbf: {  	v9 =	vld [tilespmem:s17+$0xD480]  }
0xc0: {  	v8 =	vld [tilespmem:s17+$0xD490]  }
0xc1: {  	v7 =	vld [tilespmem:s17+$0xD4A0]  }
0xc2: {  	v6 =	vld [tilespmem:s17+$0xD4B0]  }
0xc3: {  	v5 =	vld [tilespmem:s17+$0xD4C0]  }
0xc4: {  	v4 =	vld [tilespmem:s17+$0xD4D0]  }
0xc5: {  	v3 =	vld [tilespmem:s17+$0xD4E0]  }
0xc6: {  	v2 =	vld [tilespmem:s17+$0xD4F0]  }
0xc7: {  	v50 =	vld [tilespmem:s17+$0x80]  }
0xc8: {  	v51 =	vld [tilespmem:s17+$0x90]  }
0xc9: {  	v52 =	vld [tilespmem:s17+$0xA0]  }
0xca: {  	v53 =	vld [tilespmem:s17+$0xB0]  }
0xcb: {  	v54 =	vld [tilespmem:s17+$0xC0]  }
0xcc: {  	v38 =	vadd.f32 v38, v50;
	v50 =	vld [tilespmem:s17+$0xD0]  }
0xcd: {  	v39 =	vadd.f32 v39, v51;
	v51 =	vld [tilespmem:s17+$0xE0]  }
0xce: {  	[tilespmem:s17+$0x80] =	vst v38;
	v38 =	vadd.f32 v40, v52;
	v40 =	vld [tilespmem:s17+$0xF0]  }
0xcf: {  	[tilespmem:s17+$0x90] =	vst v39;
	v39 =	vadd.f32 v41, v53;
	v41 =	vld [tilespmem:s17+$0x480]  }
0xd0: {  	[tilespmem:s17+$0xA0] =	vst v38;
	v38 =	vadd.f32 v42, v54;
	v42 =	vld [tilespmem:s17+$0x490]  }
0xd1: {  	[tilespmem:s17+$0xB0] =	vst v39;
	v39 =	vadd.f32 v43, v50;
	v43 =	vld [tilespmem:s17+$0x4A0]  }
0xd2: {  	[tilespmem:s17+$0xC0] =	vst v38;
	v38 =	vadd.f32 v44, v51;
	v44 =	vld [tilespmem:s17+$0x4B0]  }
0xd3: {  	[tilespmem:s17+$0xD0] =	vst v39;
	v39 =	vadd.f32 v45, v40;
	v40 =	vld [tilespmem:s17+$0x4C0]  }
0xd4: {  	[tilespmem:s17+$0xE0] =	vst v38;
	v38 =	vadd.f32 v46, v41;
	v41 =	vld [tilespmem:s17+$0x4D0]  }
0xd5: {  	[tilespmem:s17+$0xF0] =	vst v39;
	v39 =	vadd.f32 v47, v42;
	v42 =	vld [tilespmem:s17+$0x4E0]  }
0xd6: {  	[tilespmem:s17+$0x480] =	vst v38;
	v38 =	vadd.f32 v48, v43;
	v43 =	vld [tilespmem:s17+$0x4F0]  }
0xd7: {  	[tilespmem:s17+$0x490] =	vst v39;
	v39 =	vadd.f32 v49, v44;
	v44 =	vld [tilespmem:s17+$0x880]  }
0xd8: {  	[tilespmem:s17+$0x4A0] =	vst v38;
	v37 =	vadd.f32 v37, v40;
	v38 =	vld [tilespmem:s17+$0x890]  }
0xd9: {  	[tilespmem:s17+$0x4B0] =	vst v39;
	v36 =	vadd.f32 v36, v41;
	v39 =	vld [tilespmem:s17+$0x8A0]  }
0xda: {  	[tilespmem:s17+$0x4C0] =	vst v37;
	v35 =	vadd.f32 v35, v42;
	v37 =	vld [tilespmem:s17+$0x8B0]  }
0xdb: {  	[tilespmem:s17+$0x4D0] =	vst v36;
	v34 =	vadd.f32 v34, v43;
	v36 =	vld [tilespmem:s17+$0x8C0]  }
0xdc: {  	[tilespmem:s17+$0x4E0] =	vst v35;
	v33 =	vadd.f32 v33, v44;
	v35 =	vld [tilespmem:s17+$0x8D0]  }
0xdd: {  	[tilespmem:s17+$0x4F0] =	vst v34;
	v32 =	vadd.f32 v32, v38;
	v34 =	vld [tilespmem:s17+$0x8E0]  }
0xde: {  	[tilespmem:s17+$0x880] =	vst v33;
	v31 =	vadd.f32 v31, v39;
	v33 =	vld [tilespmem:s17+$0x8F0]  }
0xdf: {  	[tilespmem:s17+$0x890] =	vst v32;
	v30 =	vadd.f32 v30, v37;
	v32 =	vld [tilespmem:s17+$0xC80]  }
0xe0: {  	[tilespmem:s17+$0x8A0] =	vst v31;
	v29 =	vadd.f32 v29, v36;
	v31 =	vld [tilespmem:s17+$0xC90]  }
0xe1: {  	[tilespmem:s17+$0x8B0] =	vst v30;
	v28 =	vadd.f32 v28, v35;
	v30 =	vld [tilespmem:s17+$0xCA0]  }
0xe2: {  	[tilespmem:s17+$0x8C0] =	vst v29;
	v27 =	vadd.f32 v27, v34;
	v29 =	vld [tilespmem:s17+$0xCB0]  }
0xe3: {  	[tilespmem:s17+$0x8D0] =	vst v28;
	v26 =	vadd.f32 v26, v33;
	v28 =	vld [tilespmem:s17+$0xCC0]  }
0xe4: {  	[tilespmem:s17+$0x8E0] =	vst v27;
	v25 =	vadd.f32 v25, v32;
	v27 =	vld [tilespmem:s17+$0xCD0]  }
0xe5: {  	[tilespmem:s17+$0x8F0] =	vst v26;
	v24 =	vadd.f32 v24, v31;
	v26 =	vld [tilespmem:s17+$0xCE0]  }
0xe6: {  	[tilespmem:s17+$0xC80] =	vst v25;
	v23 =	vadd.f32 v23, v30;
	v25 =	vld [tilespmem:s17+$0xCF0]  }
0xe7: {  	[tilespmem:s17+$0xC90] =	vst v24;
	v22 =	vadd.f32 v22, v29;
	v24 =	vld [tilespmem:s17+$0x1080]  }
0xe8: {  	[tilespmem:s17+$0xCA0] =	vst v23;
	v21 =	vadd.f32 v21, v28;
	v23 =	vld [tilespmem:s17+$0x1090]  }
0xe9: {  	[tilespmem:s17+$0xCB0] =	vst v22;
	v20 =	vadd.f32 v20, v27;
	v22 =	vld [tilespmem:s17+$0x10A0]  }
0xea: {  	[tilespmem:s17+$0xCC0] =	vst v21;
	v19 =	vadd.f32 v19, v26;
	v21 =	vld [tilespmem:s17+$0x10B0]  }
0xeb: {  	[tilespmem:s17+$0xCD0] =	vst v20;
	v18 =	vadd.f32 v18, v25;
	v20 =	vld [tilespmem:s17+$0x10C0]  }
0xec: {  	[tilespmem:s17+$0xCE0] =	vst v19;
	v17 =	vadd.f32 v17, v24;
	v19 =	vld [tilespmem:s17+$0x10D0]  }
.Ltmp1:
0xed: {  	[tilespmem:s17+$0xCF0] =	vst v18;
	v18 =	vadd.f32 v16, v23;
	v16 =	vld [tilespmem:s17+$0x10E0];
	(pc) =	sbr.rel @p0 .LBB2_5-.Ltmp1, $4  }
0xee: {  	[tilespmem:s17+$0x1080] =	vst v17;
	v17 =	vadd.f32 v15, v22;
	v15 =	vld [tilespmem:s17+$0x10F0]  }
0xef: {  	[tilespmem:s17+$0x1090] =	vst v18;
	v21 =	vadd.f32 v14, v21;
	v14 =	vld [tilespmem:s17+$0x1480]  }
0xf0: {  	[tilespmem:s17+$0x10A0] =	vst v17;
	v18 =	vadd.f32 v13, v20;
	v13 =	vld [tilespmem:s17+$0x1490]  }
0xf1: {  	s18 =	sadd.s32 $0x1, s18;
	s19 =	sadd.s32 $0x200, s19;
	[tilespmem:s17+$0x10B0] =	vst v21;
	v17 =	vadd.f32 v12, v19;
	v12 =	vld [tilespmem:s17+$0x14A0]  }
0xf2: {  	[tilespmem:s17+$0x10C0] =	vst v18;
	v59 =	vld [tilespmem:s17+$0x14B0];
	v11 =	vadd.f32 v11, v16  }
0xf3: {  	v60 =	vld [tilespmem:s17+$0x14C0];
	[tilespmem:s17+$0x10D0] =	vst v17;
	v10 =	vadd.f32 v10, v15  }
0xf4: {  	v61 =	vld [tilespmem:s17+$0x14D0];
	[tilespmem:s17+$0x10E0] =	vst v11;
	v9 =	vadd.f32 v9, v14  }
0xf5: {  	v62 =	vld [tilespmem:s17+$0x14E0];
	[tilespmem:s17+$0x10F0] =	vst v10;
	v8 =	vadd.f32 v8, v13  }
0xf6: {  	v63 =	vld [tilespmem:s17+$0x14F0];
	[tilespmem:s17+$0x1480] =	vst v9;
	v7 =	vadd.f32 v7, v12  }
0xf7: {  	[tilespmem:s17+$0x1490] =	vst v8;
	v6 =	vadd.f32 v6, v59  }
0xf8: {  	s18 =	smul.u32 $0x6000, s16;
	s19 =	sadd.s32 s5, s16;
	s16 =	sadd.s32 $0x1, s16;
	v5 =	vadd.f32 v5, v60;
	[tilespmem:s17+$0x14A0] =	vst v7  }
0xf9: {  	p0 =	sne.s32 s16, $0x8;
	v4 =	vadd.f32 v4, v61;
	[tilespmem:s17+$0x14B0] =	vst v6  }
.Ltmp2:
0xfa: {  	v3 =	vadd.f32 v3, v62;
	[tilespmem:s17+$0x14C0] =	vst v5;
	(pc) =	sbr.rel @p0 .LBB2_4-.Ltmp2, $4  }
0xfb: {  	s19 =	smul.u32 $0x300, s19;
	v2 =	vadd.f32 v2, v63;
	[tilespmem:s17+$0x14D0] =	vst v4  }
0xfc: {  	s18 =	sshra.s32 s18, $0x2;
	[tilespmem:s17+$0x14E0] =	vst v3  }
0xfd: {  	s30 =	sor.u32 $0x80, s18;
	s31 =	sadd.s32 s2, s19;
	[tilespmem:s17+$0x14F0] =	vst v2  }
0xfe: {  	[hbm4b:s31+s3] =	stream.linear.scatter [tilespmem:s30], [sflag:$0x3], $0x1800, $0x38;
	[tilespmem:$0x18080] =	vst v63  }
0xff: {  	_ =	swait.ge [sflag:s14], $0x1800  }
0x100: {  	[sflag:s14] =	ssyncset.done $0x0  }
0x101: {  	[sflag:s14] =	ssyncadd.s32 $0xFFFFE800  }
0x102: {  	_ =	swait.ge [sflag:s14], $0x1800  }
0x103: {  	[sflag:s14] =	ssyncset.done $0x0  }
0x104: {  	[sflag:s14] =	ssyncadd.s32 $0xFFFFE800  }
0x105: {  	_ =	swait.ge [sflag:s14], $0x1800  }
0x106: {  	[sflag:s14] =	ssyncset.done $0x0  }
0x107: {  	[sflag:s14] =	ssyncadd.s32 $0xFFFFE800  }
0x108: {  	_ =	swait.ge [sflag:s14], $0x1800  }
0x109: {  	[sflag:s14] =	ssyncset.done $0x0  }
0x10a: {  	[sflag:s14] =	ssyncadd.s32 $0xFFFFE800  }
0x10b: {  	_ =	swait.ge [sflag:s14], $0x1800  }
0x10c: {  	[sflag:s14] =	ssyncset.done $0x0  }
0x10d: {  	[sflag:s14] =	ssyncadd.s32 $0xFFFFE800  }
0x10e: {  	_ =	swait.ge [sflag:s14], $0x1800  }
0x10f: {  	[sflag:s14] =	ssyncset.done $0x0  }
0x110: {  	s15 =	sadd.s32 $0x1, s15;
	[sflag:s14] =	ssyncadd.s32 $0xFFFFE800  }
0x111: {  	p0 =	sne.s32 s15, s9;
	_ =	swait.ge [sflag:s14], $0x1800  }
.Ltmp3:
0x112: {  	[sflag:s14] =	ssyncset.done $0x0;
	(pc) =	sbr.rel @p0 .LBB2_1-.Ltmp3, $4  }
0x113: {  	[sflag:s14] =	ssyncadd.s32 $0xFFFFE800  }
0x114: {  	_ =	swait.ge [sflag:s14], $0x1800  }
0x115: {  	[sflag:s14] =	ssyncset.done $0x0  }
0x116: {  	[sflag:s14] =	ssyncadd.s32 $0xFFFFE800  }
0x117: {  	_ =	sfence.sel $0x180000  }
0x118: {  	[bflag:$0x0] =	sbarrier.arrive $0xFFFF  }
0x119: {  	p0 =	sne.s32 s4, $0x0;
	_ =	strace $0x90000047  }
0x11a: {  	s0 =	sadd.s32 @!p0 $0x100000, s0;
	[bflag:$0x2] =	sbarrier.arrive $0xFFFF  }
0x11b: {  	[sflag:s0] =	ssyncadd.tile.s32 @!p0 $0x1;
	_ =	shalt  }
.Lfunc_end2:
_tile_overlayer_lowered:
.L_overlay_start_2:
0x11c: {  	(tag) =	ssettag $0x2  }
0x11d: {  	s0 =	rddreg [dreg:$0x0];
	s2 =	stileid.u32  }
0x11e: {  	s1 =	rddreg [dreg:$0x1];
	p0 =	sne.s32 s2, $0x0  }
0x11f: {  	s3 =	rddreg [dreg:$0x2];
	[bflag:$0x3] =	sbarrier.arrive $0xFFFF;
	s2 =	simm.s32 @!p0 $0x1C04  }
0x120: {  	[timem:s3], [sflag:s2] =	dma.local @!p0 [hbm:s0], s1  }
0x121: {  	s0 =	simm.s32 @!p0 $0x4  }
0x122: {  	_ =	swait.ge @!p0 [sflag:s0], s1  }
0x123: {  	s1 =	ssub.s32 @!p0 $0x0, s1;
	[sflag:s0] =	ssyncset.done @!p0 $0x0  }
0x124: {  	[sflag:s0] =	ssyncadd.s32 @!p0 s1  }
0x125: {  	[bflag:$0x3] =	sbarrier.arrive $0xFFFF  }
0x126: {  	_ =	shalt  }

</sc_bundles>
